<compile_context>
chip_gen: v7x
topology: tpu7x:2x2x1
jax: 0.10.2.dev20260603
libtpu: 0.0.44.dev20260713+nightly
codegen_flags: <defaults>
</compile_context>

<pallas_src>
import functools

import jax
import jax.numpy as jnp
from jax import lax
from jax.experimental import pallas as pl
from jax.experimental.pallas import tpu as pltpu
from jax.experimental.pallas import tpu_sc as plsc



def _stats_body(lref, sref, cref, nacc, *, nc, rows, w, h, nchunk):
    ncls = nc - 1
    j = pl.program_id(1)

    x = lref[0]

    best = x[0]
    idx = jnp.zeros((rows, w), jnp.int32)
    for c in range(1, nc):
        v = x[c]
        m = v > best
        best = jnp.where(m, v, best)
        idx = jnp.where(m, c, idx)

    colp = jax.lax.broadcasted_iota(
        jnp.int32, (rows, w), 1).astype(jnp.float32) + 1.0
    colr = jnp.float32(w + 1) - colp
    ones_row = jnp.ones((1, rows), jnp.float32)
    mn_l, mx_l, nparts = [], [], []
    for c in range(1, nc):
        mf = jnp.where(idx == c, 1.0, 0.0)
        mx_l.append(jnp.max(mf * colp, axis=1, keepdims=True))
        mn_l.append(jnp.max(mf * colr, axis=1, keepdims=True))
        part = jax.lax.dot_general(
            ones_row, mf, (((1,), (0,)), ((), ())),
            preferred_element_type=jnp.float32)
        nparts.append(jnp.sum(part, axis=1, keepdims=True))
    mn = w - jnp.concatenate(mn_l, axis=1).astype(jnp.int32)
    mx = jnp.concatenate(mx_l, axis=1).astype(jnp.int32) - 1
    nchunkcnt = jnp.concatenate(nparts, axis=1).astype(jnp.int32)

    pk = mn * 1024 + (mx + 1)
    pkt = jnp.transpose(pk.astype(jnp.float32)).astype(jnp.int32)
    sref[0, :ncls, :] = pkt

    @pl.when(j == 0)
    def _():
        nacc[:1, :] = jnp.zeros((1, 128), jnp.int32)

    nacc[:1, :ncls] = nacc[:1, :ncls] + nchunkcnt

    @pl.when(j == nchunk - 1)
    def _():
        nt = jnp.transpose(nacc[:1, :32].astype(jnp.float32))
        cref[0] = jnp.broadcast_to(nt, (32, 16)).astype(jnp.int32)


def _merge_body(stats_hbm, counts_hbm, out_hbm, stats_v, counts_v, out_v,
                *, h, w, ncls, nbatch):
    wid = lax.axis_index("s") * 2 + lax.axis_index("c")
    ntask = nbatch * ncls
    ngrp = h // 16
    lane = jnp.arange(16, dtype=jnp.int32)

    def do_task(t):
        b = t // ncls
        c = t % ncls
        pltpu.sync_copy(stats_hbm.at[b, c], stats_v)
        pltpu.sync_copy(counts_hbm.at[b, c], counts_v)

        shift_idx = jnp.maximum(lane - 1, 0)

        def grp(g, carry):
            run, acc_s = carry
            rows16 = g * 16 + lane
            pk = stats_v[pl.ds(g * 16, 16)]
            mnv = pk >> 10
            mxv = (pk & 1023) - 1
            occ = mxv >= 0
            firstv = mnv - rows16
            lastv = mxv - rows16
            pkm = jnp.where(occ, (rows16 + 1) * 2048 + (lastv + h), -1)
            im = plsc.cummax(pkm)
            sh = lax.gather(
                im, shift_idx[:, None],
                dimension_numbers=lax.GatherDimensionNumbers(
                    offset_dims=(), collapsed_slice_dims=(0,),
                    start_index_map=(0,)),
                slice_sizes=(1,),
                mode=lax.GatherScatterMode.PROMISE_IN_BOUNDS)
            excl = jnp.where(lane == 0, -1, sh)
            erun = jnp.maximum(excl, jnp.full((16,), run, jnp.int32))
            prev_ok = erun >= 0
            prev_last = (erun & 2047) - h
            cross = jnp.where(occ & prev_ok, jnp.abs(firstv - prev_last), 0)
            srow = jnp.where(occ, mxv - mnv, 0)
            run = jnp.maximum(run, jnp.max(pkm))
            return run, acc_s + cross + srow

        run0 = jnp.int32(-1)
        _, acc_s = lax.fori_loop(0, ngrp, grp,
                                 (run0, jnp.zeros((16,), jnp.int32)),
                                 unroll=4)
        s_vec = jnp.full((16,), jnp.sum(acc_s)).astype(jnp.float32)
        n_vec = counts_v[...].astype(jnp.float32)
        mean = s_vec / jnp.maximum(n_vec - 1.0, 1.0)
        contrib = jnp.where(n_vec >= 2.0, mean / (n_vec + 1.0), 0.0)
        out_v[...] = jnp.where(lane == 0, contrib, 0.0)
        pltpu.sync_copy(out_v, out_hbm.at[t])

    do_task(wid)

    @pl.when(wid < ntask - 32)
    def _():
        do_task(wid + 32)


def kernel(logits, labels):
    del labels
    bs, nc, h, w = logits.shape
    ncls = nc - 1
    rows = 256
    nchunk = h // rows

    body = functools.partial(_stats_body, nc=nc, rows=rows, w=w, h=h,
                             nchunk=nchunk)
    stats, counts = pl.pallas_call(
        body,
        grid=(bs, nchunk),
        in_specs=[
            pl.BlockSpec((1, nc, rows, w), lambda b, j: (b, 0, j, 0)),
        ],
        out_specs=[
            pl.BlockSpec((1, 32, rows), lambda b, j: (b, 0, j)),
            pl.BlockSpec((1, 32, 16), lambda b, j: (b, 0, 0)),
        ],
        out_shape=[
            jax.ShapeDtypeStruct((bs, 32, h), jnp.int32),
            jax.ShapeDtypeStruct((bs, 32, 16), jnp.int32),
        ],
        scratch_shapes=[
            pltpu.VMEM((8, 128), jnp.int32),
        ],
        compiler_params=pltpu.CompilerParams(
            dimension_semantics=("arbitrary", "arbitrary"),
        ),
    )(logits)

    mesh = plsc.VectorSubcoreMesh(core_axis_name="c", subcore_axis_name="s")
    merge = functools.partial(_merge_body, h=h, w=w, ncls=ncls, nbatch=bs)
    out = pl.kernel(
        merge,
        out_type=jax.ShapeDtypeStruct((bs * ncls, 16), jnp.float32),
        mesh=mesh,
        scratch_types=[
            pltpu.VMEM((h,), jnp.int32),
            pltpu.VMEM((16,), jnp.int32),
            pltpu.VMEM((16,), jnp.float32),
        ],
        compiler_params=pltpu.CompilerParams(needs_layout_passes=False),
    )(stats, counts)
    return jnp.sum(out)

# --- scband reference (transcript-rebuilt; emitter-appended) ---
"""Pipeline reference for scband-seg-straight-loss-11897059410410 (READ-ONLY COPY).

The authoritative reference and input builder live on the scoring server;
editing this copy changes nothing except your own understanding.
"""

import jax, jax.numpy as jnp
import numpy as np

LAMBDA_WEIGHT = 1.0


def setup_inputs(seed: int = 0) -> dict:
    key = jax.random.key(seed)
    k1, k2 = jax.random.split(key)
    logits = jax.random.normal(k1, (2, 19, 512, 512), dtype=jnp.float32)
    labels = jax.random.randint(k2, (2, 512, 512), 0, 19).astype(jnp.int32)
    return {"logits": logits, "labels": labels}


def reference(logits, labels):
    # differentiable_argmax(...).to(int64) collapses to hard argmax over the class dim
    # (the int cast detaches any straight-through gradient anyway).
    bs, nc, h, w = logits.shape
    seg = jnp.argmax(logits, axis=1)  # [bs, h, w] int
    # torch.where on seg[b]==c yields coords [N,2] = (row, col) in row-major order;
    # coord[:,1:]-coord[:,:-1] -> per-pixel scalar (col - row).
    rows = jnp.arange(h, dtype=jnp.float32)[:, None]
    cols = jnp.arange(w, dtype=jnp.float32)[None, :]
    vals = jnp.broadcast_to(cols - rows, (h, w)).reshape(-1)  # [h*w]
    hw = h * w
    pair_idx = jnp.arange(hw - 1, dtype=jnp.float32)
    total = jnp.float32(0.0)
    for b in range(bs):
        segb = seg[b].reshape(-1)
        for c in range(1, nc):
            mask = segb == c
            nf = jnp.sum(mask.astype(jnp.float32))
            # stable sort brings selected pixels to the front, preserving row-major order
            order = jnp.argsort(jnp.where(mask, 0, 1), stable=True)
            v = vals[order]
            d = v[1:] - v[:-1]  # second-difference stream; valid pairs are i < n-1
            valid = (pair_idx < (nf - 1.0)).astype(jnp.float32)
            s = jnp.sum(jnp.abs(d) * valid)
            mean = s / jnp.maximum(nf - 1.0, 1.0)
            contrib = jnp.where(nf >= 2.0, mean / (nf + 1.0), 0.0)
            total = total + contrib
    return total * LAMBDA_WEIGHT

if __name__ == "__main__":
    import jax
    _d = setup_inputs()
    print(jax.jit(kernel)(*tuple(_d.values())))

</pallas_src>

<mosaic_0001>
#map = affine_map<(d0, d1) -> (0, 0, 0)>
#map1 = affine_map<(d0, d1) -> (0, 0)>
module attributes {stable_mosaic.version = 14 : i64} {
  func.func @_merge_body(%arg0: i32, %arg1: i32, %arg2: memref<2x32x512xi32, #tpu.memory_space<hbm>>, %arg3: memref<2x32x16xi32, #tpu.memory_space<hbm>>, %arg4: memref<36x16xf32, #tpu.memory_space<hbm>>, %arg5: memref<512xi32, #tpu.memory_space<vmem>>, %arg6: memref<16xi32, #tpu.memory_space<vmem>>, %arg7: memref<16xf32, #tpu.memory_space<vmem>>) attributes {dimension_semantics = [#tpu.dimension_semantics<core_parallel>, #tpu.dimension_semantics<subcore_parallel>], iteration_bounds = array<i64: 2, 16>, scalar_prefetch = 0 : i64, scratch_operands = 3 : i64, tpu.core_type = #tpu.core_type<sc_vector_subcore>, window_params = [{transform_indices = #map}, {transform_indices = #map}, {transform_indices = #map1}]} {
    %mul3A = arith.constant 2 : i32
    %mul3A_0 = arith.muli %arg1, %mul3A : i32
    %add3A = arith.addi %mul3A_0, %arg0 : i32
    %iota3A = tpu.iota {dimensions = array<i32: 0>} : vector<16xi32>
    %jit3A = arith.constant 18 : i32
    %div3A = arith.divsi %add3A, %jit3A : i32
    %sign3A = arith.constant 0 : i32
    %sign3A_1 = arith.cmpi sgt, %add3A, %sign3A : i32
    %sign3A_2 = arith.extui %sign3A_1 : i1 to i32
    %sign3A_3 = arith.constant 0 : i32
    %sign3A_4 = arith.cmpi slt, %add3A, %sign3A_3 : i32
    %sign3A_5 = arith.extui %sign3A_4 : i1 to i32
    %sign3A_6 = arith.subi %sign3A_2, %sign3A_5 : i32
    %sign3A_7 = arith.constant 0 : i32
    %sign3A_8 = arith.cmpi sgt, %jit3A, %sign3A_7 : i32
    %sign3A_9 = arith.extui %sign3A_8 : i1 to i32
    %sign3A_10 = arith.constant 0 : i32
    %sign3A_11 = arith.cmpi slt, %jit3A, %sign3A_10 : i32
    %sign3A_12 = arith.extui %sign3A_11 : i1 to i32
    %sign3A_13 = arith.subi %sign3A_9, %sign3A_12 : i32
    %ne3A = arith.cmpi ne, %sign3A_6, %sign3A_13 : i32
    %rem3A = arith.remsi %add3A, %jit3A : i32
    %ne3A_14 = arith.constant 0 : i32
    %ne3A_15 = arith.cmpi ne, %rem3A, %ne3A_14 : i32
    %and3A = arith.andi %ne3A, %ne3A_15 : i1
    %sub3A = arith.constant 1 : i32
    %sub3A_16 = arith.subi %div3A, %sub3A : i32
    %select_n3A = arith.select %and3A, %sub3A_16, %div3A : i32
    %jit3A_17 = arith.constant 18 : i32
    %eq3A = arith.constant 0 : i32
    %eq3A_18 = arith.cmpi eq, %jit3A_17, %eq3A : i32
    %jit3A_19 = arith.constant 1 : i32
    %select_n3A_20 = arith.select %eq3A_18, %jit3A_19, %jit3A_17 : i32
    %rem3A_21 = arith.remsi %add3A, %select_n3A_20 : i32
    %ne3A_22 = arith.constant 0 : i32
    %ne3A_23 = arith.cmpi ne, %rem3A_21, %ne3A_22 : i32
    %lt3A = arith.constant 0 : i32
    %lt3A_24 = arith.cmpi slt, %rem3A_21, %lt3A : i32
    %lt3A_25 = arith.constant 0 : i32
    %lt3A_26 = arith.cmpi slt, %select_n3A_20, %lt3A_25 : i32
    %ne3A_27 = arith.xori %lt3A_24, %lt3A_26 : i1
    %and3A_28 = arith.andi %ne3A_27, %ne3A_23 : i1
    %add3A_29 = arith.addi %rem3A_21, %select_n3A_20 : i32
    %select_n3A_30 = arith.select %and3A_28, %add3A_29, %rem3A_21 : i32
    "tpu.region"() ({
      %run_scoped3A = tpu.sem_alloc : memref<!tpu.dma_semaphore, #tpu.memory_space<semaphore_mem>>
      %dma_start3A = arith.constant 0 : i32
      %dma_start3A_76 = tpu.memref_slice %arg2[%select_n3A, %select_n3A_30, %dma_start3A] : memref<2x32x512xi32, #tpu.memory_space<hbm>> -> memref<1x1x512xi32, #tpu.memory_space<hbm>>
      %dma_start3A_77 = tpu.memref_squeeze %dma_start3A_76 : memref<1x1x512xi32, #tpu.memory_space<hbm>> -> memref<512xi32, #tpu.memory_space<hbm>>
      %dma_start3A_78 = arith.constant 0 : i32
      %dma_start3A_79 = tpu.memref_slice %arg2[%select_n3A, %select_n3A_30, %dma_start3A_78] : memref<2x32x512xi32, #tpu.memory_space<hbm>> -> memref<1x1x512xi32, #tpu.memory_space<hbm>>
      %dma_start3A_80 = tpu.memref_squeeze %dma_start3A_79 : memref<1x1x512xi32, #tpu.memory_space<hbm>> -> memref<512xi32, #tpu.memory_space<hbm>>
      tpu.enqueue_dma source(%dma_start3A_80 : memref<512xi32, #tpu.memory_space<hbm>>) target(%arg5 : memref<512xi32, #tpu.memory_space<vmem>>) target_semaphore(%run_scoped3A : memref<!tpu.dma_semaphore, #tpu.memory_space<semaphore_mem>>)
      %dma_wait3A = arith.constant 0 : i32
      %dma_wait3A_81 = tpu.memref_slice %arg2[%select_n3A, %select_n3A_30, %dma_wait3A] : memref<2x32x512xi32, #tpu.memory_space<hbm>> -> memref<1x1x512xi32, #tpu.memory_space<hbm>>
      %dma_wait3A_82 = tpu.memref_squeeze %dma_wait3A_81 : memref<1x1x512xi32, #tpu.memory_space<hbm>> -> memref<512xi32, #tpu.memory_space<hbm>>
      %dma_wait3A_83 = arith.constant 0 : i32
      %dma_wait3A_84 = tpu.memref_slice %arg2[%select_n3A, %select_n3A_30, %dma_wait3A_83] : memref<2x32x512xi32, #tpu.memory_space<hbm>> -> memref<1x1x512xi32, #tpu.memory_space<hbm>>
      %dma_wait3A_85 = tpu.memref_squeeze %dma_wait3A_84 : memref<1x1x512xi32, #tpu.memory_space<hbm>> -> memref<512xi32, #tpu.memory_space<hbm>>
      tpu.wait_dma2 semaphore(%run_scoped3A : memref<!tpu.dma_semaphore, #tpu.memory_space<semaphore_mem>>) src(%dma_wait3A_85 : memref<512xi32, #tpu.memory_space<hbm>>) dst(%arg5 : memref<512xi32, #tpu.memory_space<vmem>>)
      tpu.yield
    }) : () -> ()
    "tpu.region"() ({
      %run_scoped3A = tpu.sem_alloc : memref<!tpu.dma_semaphore, #tpu.memory_space<semaphore_mem>>
      %dma_start3A = arith.constant 0 : i32
      %dma_start3A_76 = tpu.memref_slice %arg3[%select_n3A, %select_n3A_30, %dma_start3A] : memref<2x32x16xi32, #tpu.memory_space<hbm>> -> memref<1x1x16xi32, #tpu.memory_space<hbm>>
      %dma_start3A_77 = tpu.memref_squeeze %dma_start3A_76 : memref<1x1x16xi32, #tpu.memory_space<hbm>> -> memref<16xi32, #tpu.memory_space<hbm>>
      %dma_start3A_78 = arith.constant 0 : i32
      %dma_start3A_79 = tpu.memref_slice %arg3[%select_n3A, %select_n3A_30, %dma_start3A_78] : memref<2x32x16xi32, #tpu.memory_space<hbm>> -> memref<1x1x16xi32, #tpu.memory_space<hbm>>
      %dma_start3A_80 = tpu.memref_squeeze %dma_start3A_79 : memref<1x1x16xi32, #tpu.memory_space<hbm>> -> memref<16xi32, #tpu.memory_space<hbm>>
      tpu.enqueue_dma source(%dma_start3A_80 : memref<16xi32, #tpu.memory_space<hbm>>) target(%arg6 : memref<16xi32, #tpu.memory_space<vmem>>) target_semaphore(%run_scoped3A : memref<!tpu.dma_semaphore, #tpu.memory_space<semaphore_mem>>)
      %dma_wait3A = arith.constant 0 : i32
      %dma_wait3A_81 = tpu.memref_slice %arg3[%select_n3A, %select_n3A_30, %dma_wait3A] : memref<2x32x16xi32, #tpu.memory_space<hbm>> -> memref<1x1x16xi32, #tpu.memory_space<hbm>>
      %dma_wait3A_82 = tpu.memref_squeeze %dma_wait3A_81 : memref<1x1x16xi32, #tpu.memory_space<hbm>> -> memref<16xi32, #tpu.memory_space<hbm>>
      %dma_wait3A_83 = arith.constant 0 : i32
      %dma_wait3A_84 = tpu.memref_slice %arg3[%select_n3A, %select_n3A_30, %dma_wait3A_83] : memref<2x32x16xi32, #tpu.memory_space<hbm>> -> memref<1x1x16xi32, #tpu.memory_space<hbm>>
      %dma_wait3A_85 = tpu.memref_squeeze %dma_wait3A_84 : memref<1x1x16xi32, #tpu.memory_space<hbm>> -> memref<16xi32, #tpu.memory_space<hbm>>
      tpu.wait_dma2 semaphore(%run_scoped3A : memref<!tpu.dma_semaphore, #tpu.memory_space<semaphore_mem>>) src(%dma_wait3A_85 : memref<16xi32, #tpu.memory_space<hbm>>) dst(%arg6 : memref<16xi32, #tpu.memory_space<vmem>>)
      tpu.yield
    }) : () -> ()
    %sub3A_31 = arith.constant 1 : i32
    %sub3A_32 = vector.broadcast %sub3A_31 : i32 to vector<16xi32>
    %sub3A_33 = arith.subi %iota3A, %sub3A_32 : vector<16xi32>
    %max3A = arith.constant 0 : i32
    %max3A_34 = vector.broadcast %max3A : i32 to vector<16xi32>
    %max3A_35 = arith.maxsi %sub3A_33, %max3A_34 : vector<16xi32>
    %broadcast_in_dim3A = arith.constant 0 : i32
    %broadcast_in_dim3A_36 = vector.broadcast %broadcast_in_dim3A : i32 to vector<16xi32>
    %scan3A = arith.constant -1 : i32
    %scan3A_37 = arith.constant 0 : i32
    %scan3A_38 = arith.constant 32 : i32
    %scan3A_39 = arith.addi %scan3A_37, %scan3A_38 : i32
    %scan3A_40 = arith.constant 4 : i32
    %scan3A_41:2 = scf.for %scan3A_76 = %scan3A_37 to %scan3A_39 step %scan3A_40 iter_args(%scan3A_77 = %scan3A, %scan3A_78 = %broadcast_in_dim3A_36) -> (i32, vector<16xi32>)  : i32 {
      %mul3A_79 = arith.constant 16 : i32
      %mul3A_80 = arith.muli %scan3A_76, %mul3A_79 : i32
      %add3A_81 = vector.broadcast %mul3A_80 : i32 to vector<16xi32>
      %add3A_82 = arith.addi %add3A_81, %iota3A : vector<16xi32>
      %mul3A_83 = arith.constant 16 : i32
      %mul3A_84 = arith.muli %scan3A_76, %mul3A_83 : i32
      %get3A_85 = arith.index_cast %mul3A_84 : i32 to index
      %get3A_86 = tpu.vector_load %arg5[%get3A_85] {strides = array<i32>} : memref<512xi32, #tpu.memory_space<vmem>>, vector<16xi32>,
      %shift_right_arithmetic3A = arith.constant 10 : i32
      %shift_right_arithmetic3A_87 = vector.broadcast %shift_right_arithmetic3A : i32 to vector<16xi32>
      %shift_right_arithmetic3A_88 = arith.shrsi %get3A_86, %shift_right_arithmetic3A_87 : vector<16xi32>
      %and3A_89 = arith.constant 1023 : i32
      %and3A_90 = vector.broadcast %and3A_89 : i32 to vector<16xi32>
      %and3A_91 = arith.andi %get3A_86, %and3A_90 : vector<16xi32>
      %sub3A_92 = arith.constant 1 : i32
      %sub3A_93 = vector.broadcast %sub3A_92 : i32 to vector<16xi32>
      %sub3A_94 = arith.subi %and3A_91, %sub3A_93 : vector<16xi32>
      %ge3A_95 = arith.constant 0 : i32
      %ge3A_96 = vector.broadcast %ge3A_95 : i32 to vector<16xi32>
      %ge3A_97 = arith.cmpi sge, %sub3A_94, %ge3A_96 : vector<16xi32>
      %sub3A_98 = arith.subi %shift_right_arithmetic3A_88, %add3A_82 : vector<16xi32>
      %sub3A_99 = arith.subi %sub3A_94, %add3A_82 : vector<16xi32>
      %add3A_100 = arith.constant 1 : i32
      %add3A_101 = vector.broadcast %add3A_100 : i32 to vector<16xi32>
      %add3A_102 = arith.addi %add3A_82, %add3A_101 : vector<16xi32>
      %mul3A_103 = arith.constant 2048 : i32
      %mul3A_104 = vector.broadcast %mul3A_103 : i32 to vector<16xi32>
      %mul3A_105 = arith.muli %add3A_102, %mul3A_104 : vector<16xi32>
      %add3A_106 = arith.constant 512 : i32
      %add3A_107 = vector.broadcast %add3A_106 : i32 to vector<16xi32>
      %add3A_108 = arith.addi %sub3A_99, %add3A_107 : vector<16xi32>
      %add3A_109 = arith.addi %mul3A_105, %add3A_108 : vector<16xi32>
      %jit3A_110 = arith.constant -1 : i32
      %broadcast_in_dim3A_111 = vector.broadcast %jit3A_110 : i32 to vector<16xi32>
      %select_n3A_112 = arith.select %ge3A_97, %add3A_109, %broadcast_in_dim3A_111 : vector<16xi1>, vector<16xi32>
      %broadcast_in_dim3A_113 = arith.constant true
      %broadcast_in_dim3A_114 = vector.broadcast %broadcast_in_dim3A_113 : i1 to vector<16xi1>
      %masked_cummax3A = arith.constant -2147483648 : i32
      %masked_cummax3A_115 = vector.broadcast %masked_cummax3A : i32 to vector<16xi32>
      %masked_cummax3A_116 = arith.xori %select_n3A_112, %masked_cummax3A_115 : vector<16xi32>
      %masked_cummax3A_117 = tpu.scan <max>, %masked_cummax3A_116 masked %broadcast_in_dim3A_114 : vector<16xi32>, vector<16xi1> -> vector<16xi32>
      %masked_cummax3A_118 = arith.xori %masked_cummax3A_117, %masked_cummax3A_115 : vector<16xi32>
      %broadcast_in_dim3A_119 = vector.shape_cast %max3A_35 : vector<16xi32> to vector<16x1xi32>
      %gather3A = vector.shape_cast %broadcast_in_dim3A_119 : vector<16x1xi32> to vector<16xi32>
      %gather3A_120 = tpu.dynamic_gather %masked_cummax3A_118[%gather3A] in [0] : vector<16xi32>, vector<16xi32> -> vector<16xi32>
      %eq3A_121 = arith.constant 0 : i32
      %eq3A_122 = vector.broadcast %eq3A_121 : i32 to vector<16xi32>
      %eq3A_123 = arith.cmpi eq, %iota3A, %eq3A_122 : vector<16xi32>
      %jit3A_124 = arith.constant -1 : i32
      %broadcast_in_dim3A_125 = vector.broadcast %jit3A_124 : i32 to vector<16xi32>
      %select_n3A_126 = arith.select %eq3A_123, %broadcast_in_dim3A_125, %gather3A_120 : vector<16xi1>, vector<16xi32>
      %broadcast_in_dim3A_127 = vector.broadcast %scan3A_77 : i32 to vector<16xi32>
      %max3A_128 = arith.maxsi %select_n3A_126, %broadcast_in_dim3A_127 : vector<16xi32>
      %ge3A_129 = arith.constant 0 : i32
      %ge3A_130 = vector.broadcast %ge3A_129 : i32 to vector<16xi32>
      %ge3A_131 = arith.cmpi sge, %max3A_128, %ge3A_130 : vector<16xi32>
      %and3A_132 = arith.constant 2047 : i32
      %and3A_133 = vector.broadcast %and3A_132 : i32 to vector<16xi32>
      %and3A_134 = arith.andi %max3A_128, %and3A_133 : vector<16xi32>
      %sub3A_135 = arith.constant 512 : i32
      %sub3A_136 = vector.broadcast %sub3A_135 : i32 to vector<16xi32>
      %sub3A_137 = arith.subi %and3A_134, %sub3A_136 : vector<16xi32>
      %and3A_138 = arith.andi %ge3A_97, %ge3A_131 : vector<16xi1>
      %sub3A_139 = arith.subi %sub3A_98, %sub3A_137 : vector<16xi32>
      %abs3A = math.absi %sub3A_139 : vector<16xi32>
      %jit3A_140 = arith.constant 0 : i32
      %broadcast_in_dim3A_141 = vector.broadcast %jit3A_140 : i32 to vector<16xi32>
      %select_n3A_142 = arith.select %and3A_138, %abs3A, %broadcast_in_dim3A_141 : vector<16xi1>, vector<16xi32>
      %sub3A_143 = arith.subi %sub3A_94, %shift_right_arithmetic3A_88 : vector<16xi32>
      %jit3A_144 = arith.constant 0 : i32
      %broadcast_in_dim3A_145 = vector.broadcast %jit3A_144 : i32 to vector<16xi32>
      %select_n3A_146 = arith.select %ge3A_97, %sub3A_143, %broadcast_in_dim3A_145 : vector<16xi1>, vector<16xi32>
      %reduce_max3A = arith.constant true
      %reduce_max3A_147 = vector.broadcast %reduce_max3A : i1 to vector<16xi1>
      %reduce_max3A_148 = arith.constant -2147483648 : i32
      %reduce_max3A_149 = vector.broadcast %reduce_max3A_148 : i32 to vector<16xi32>
      %reduce_max3A_150 = arith.xori %select_n3A_112, %reduce_max3A_149 : vector<16xi32>
      %reduce_max3A_151 = tpu.scan <max>, %reduce_max3A_150 masked %reduce_max3A_147 : vector<16xi32>, vector<16xi1> -> vector<16xi32>
      %reduce_max3A_152 = arith.xori %reduce_max3A_151, %reduce_max3A_149 : vector<16xi32>
      %reduce_max3A_153 = vector.extract %reduce_max3A_152[15] : i32 from vector<16xi32>
      %max3A_154 = arith.maxsi %scan3A_77, %reduce_max3A_153 : i32
      %add3A_155 = arith.addi %scan3A_78, %select_n3A_142 : vector<16xi32>
      %add3A_156 = arith.addi %add3A_155, %select_n3A_146 : vector<16xi32>
      %scan3A_157 = arith.constant 1 : i32
      %scan3A_158 = arith.addi %scan3A_76, %scan3A_157 : i32
      %mul3A_159 = arith.constant 16 : i32
      %mul3A_160 = arith.muli %scan3A_158, %mul3A_159 : i32
      %add3A_161 = vector.broadcast %mul3A_160 : i32 to vector<16xi32>
      %add3A_162 = arith.addi %add3A_161, %iota3A : vector<16xi32>
      %mul3A_163 = arith.constant 16 : i32
      %mul3A_164 = arith.muli %scan3A_158, %mul3A_163 : i32
      %get3A_165 = arith.index_cast %mul3A_164 : i32 to index
      %get3A_166 = tpu.vector_load %arg5[%get3A_165] {strides = array<i32>} : memref<512xi32, #tpu.memory_space<vmem>>, vector<16xi32>,
      %shift_right_arithmetic3A_167 = arith.constant 10 : i32
      %shift_right_arithmetic3A_168 = vector.broadcast %shift_right_arithmetic3A_167 : i32 to vector<16xi32>
      %shift_right_arithmetic3A_169 = arith.shrsi %get3A_166, %shift_right_arithmetic3A_168 : vector<16xi32>
      %and3A_170 = arith.constant 1023 : i32
      %and3A_171 = vector.broadcast %and3A_170 : i32 to vector<16xi32>
      %and3A_172 = arith.andi %get3A_166, %and3A_171 : vector<16xi32>
      %sub3A_173 = arith.constant 1 : i32
      %sub3A_174 = vector.broadcast %sub3A_173 : i32 to vector<16xi32>
      %sub3A_175 = arith.subi %and3A_172, %sub3A_174 : vector<16xi32>
      %ge3A_176 = arith.constant 0 : i32
      %ge3A_177 = vector.broadcast %ge3A_176 : i32 to vector<16xi32>
      %ge3A_178 = arith.cmpi sge, %sub3A_175, %ge3A_177 : vector<16xi32>
      %sub3A_179 = arith.subi %shift_right_arithmetic3A_169, %add3A_162 : vector<16xi32>
      %sub3A_180 = arith.subi %sub3A_175, %add3A_162 : vector<16xi32>
      %add3A_181 = arith.constant 1 : i32
      %add3A_182 = vector.broadcast %add3A_181 : i32 to vector<16xi32>
      %add3A_183 = arith.addi %add3A_162, %add3A_182 : vector<16xi32>
      %mul3A_184 = arith.constant 2048 : i32
      %mul3A_185 = vector.broadcast %mul3A_184 : i32 to vector<16xi32>
      %mul3A_186 = arith.muli %add3A_183, %mul3A_185 : vector<16xi32>
      %add3A_187 = arith.constant 512 : i32
      %add3A_188 = vector.broadcast %add3A_187 : i32 to vector<16xi32>
      %add3A_189 = arith.addi %sub3A_180, %add3A_188 : vector<16xi32>
      %add3A_190 = arith.addi %mul3A_186, %add3A_189 : vector<16xi32>
      %jit3A_191 = arith.constant -1 : i32
      %broadcast_in_dim3A_192 = vector.broadcast %jit3A_191 : i32 to vector<16xi32>
      %select_n3A_193 = arith.select %ge3A_178, %add3A_190, %broadcast_in_dim3A_192 : vector<16xi1>, vector<16xi32>
      %broadcast_in_dim3A_194 = arith.constant true
      %broadcast_in_dim3A_195 = vector.broadcast %broadcast_in_dim3A_194 : i1 to vector<16xi1>
      %masked_cummax3A_196 = arith.constant -2147483648 : i32
      %masked_cummax3A_197 = vector.broadcast %masked_cummax3A_196 : i32 to vector<16xi32>
      %masked_cummax3A_198 = arith.xori %select_n3A_193, %masked_cummax3A_197 : vector<16xi32>
      %masked_cummax3A_199 = tpu.scan <max>, %masked_cummax3A_198 masked %broadcast_in_dim3A_195 : vector<16xi32>, vector<16xi1> -> vector<16xi32>
      %masked_cummax3A_200 = arith.xori %masked_cummax3A_199, %masked_cummax3A_197 : vector<16xi32>
      %broadcast_in_dim3A_201 = vector.shape_cast %max3A_35 : vector<16xi32> to vector<16x1xi32>
      %gather3A_202 = vector.shape_cast %broadcast_in_dim3A_201 : vector<16x1xi32> to vector<16xi32>
      %gather3A_203 = tpu.dynamic_gather %masked_cummax3A_200[%gather3A_202] in [0] : vector<16xi32>, vector<16xi32> -> vector<16xi32>
      %eq3A_204 = arith.constant 0 : i32
      %eq3A_205 = vector.broadcast %eq3A_204 : i32 to vector<16xi32>
      %eq3A_206 = arith.cmpi eq, %iota3A, %eq3A_205 : vector<16xi32>
      %jit3A_207 = arith.constant -1 : i32
      %broadcast_in_dim3A_208 = vector.broadcast %jit3A_207 : i32 to vector<16xi32>
      %select_n3A_209 = arith.select %eq3A_206, %broadcast_in_dim3A_208, %gather3A_203 : vector<16xi1>, vector<16xi32>
      %broadcast_in_dim3A_210 = vector.broadcast %max3A_154 : i32 to vector<16xi32>
      %max3A_211 = arith.maxsi %select_n3A_209, %broadcast_in_dim3A_210 : vector<16xi32>
      %ge3A_212 = arith.constant 0 : i32
      %ge3A_213 = vector.broadcast %ge3A_212 : i32 to vector<16xi32>
      %ge3A_214 = arith.cmpi sge, %max3A_211, %ge3A_213 : vector<16xi32>
      %and3A_215 = arith.constant 2047 : i32
      %and3A_216 = vector.broadcast %and3A_215 : i32 to vector<16xi32>
      %and3A_217 = arith.andi %max3A_211, %and3A_216 : vector<16xi32>
      %sub3A_218 = arith.constant 512 : i32
      %sub3A_219 = vector.broadcast %sub3A_218 : i32 to vector<16xi32>
      %sub3A_220 = arith.subi %and3A_217, %sub3A_219 : vector<16xi32>
      %and3A_221 = arith.andi %ge3A_178, %ge3A_214 : vector<16xi1>
      %sub3A_222 = arith.subi %sub3A_179, %sub3A_220 : vector<16xi32>
      %abs3A_223 = math.absi %sub3A_222 : vector<16xi32>
      %jit3A_224 = arith.constant 0 : i32
      %broadcast_in_dim3A_225 = vector.broadcast %jit3A_224 : i32 to vector<16xi32>
      %select_n3A_226 = arith.select %and3A_221, %abs3A_223, %broadcast_in_dim3A_225 : vector<16xi1>, vector<16xi32>
      %sub3A_227 = arith.subi %sub3A_175, %shift_right_arithmetic3A_169 : vector<16xi32>
      %jit3A_228 = arith.constant 0 : i32
      %broadcast_in_dim3A_229 = vector.broadcast %jit3A_228 : i32 to vector<16xi32>
      %select_n3A_230 = arith.select %ge3A_178, %sub3A_227, %broadcast_in_dim3A_229 : vector<16xi1>, vector<16xi32>
      %reduce_max3A_231 = arith.constant true
      %reduce_max3A_232 = vector.broadcast %reduce_max3A_231 : i1 to vector<16xi1>
      %reduce_max3A_233 = arith.constant -2147483648 : i32
      %reduce_max3A_234 = vector.broadcast %reduce_max3A_233 : i32 to vector<16xi32>
      %reduce_max3A_235 = arith.xori %select_n3A_193, %reduce_max3A_234 : vector<16xi32>
      %reduce_max3A_236 = tpu.scan <max>, %reduce_max3A_235 masked %reduce_max3A_232 : vector<16xi32>, vector<16xi1> -> vector<16xi32>
      %reduce_max3A_237 = arith.xori %reduce_max3A_236, %reduce_max3A_234 : vector<16xi32>
      %reduce_max3A_238 = vector.extract %reduce_max3A_237[15] : i32 from vector<16xi32>
      %max3A_239 = arith.maxsi %max3A_154, %reduce_max3A_238 : i32
      %add3A_240 = arith.addi %add3A_156, %select_n3A_226 : vector<16xi32>
      %add3A_241 = arith.addi %add3A_240, %select_n3A_230 : vector<16xi32>
      %scan3A_242 = arith.constant 2 : i32
      %scan3A_243 = arith.addi %scan3A_76, %scan3A_242 : i32
      %mul3A_244 = arith.constant 16 : i32
      %mul3A_245 = arith.muli %scan3A_243, %mul3A_244 : i32
      %add3A_246 = vector.broadcast %mul3A_245 : i32 to vector<16xi32>
      %add3A_247 = arith.addi %add3A_246, %iota3A : vector<16xi32>
      %mul3A_248 = arith.constant 16 : i32
      %mul3A_249 = arith.muli %scan3A_243, %mul3A_248 : i32
      %get3A_250 = arith.index_cast %mul3A_249 : i32 to index
      %get3A_251 = tpu.vector_load %arg5[%get3A_250] {strides = array<i32>} : memref<512xi32, #tpu.memory_space<vmem>>, vector<16xi32>,
      %shift_right_arithmetic3A_252 = arith.constant 10 : i32
      %shift_right_arithmetic3A_253 = vector.broadcast %shift_right_arithmetic3A_252 : i32 to vector<16xi32>
      %shift_right_arithmetic3A_254 = arith.shrsi %get3A_251, %shift_right_arithmetic3A_253 : vector<16xi32>
      %and3A_255 = arith.constant 1023 : i32
      %and3A_256 = vector.broadcast %and3A_255 : i32 to vector<16xi32>
      %and3A_257 = arith.andi %get3A_251, %and3A_256 : vector<16xi32>
      %sub3A_258 = arith.constant 1 : i32
      %sub3A_259 = vector.broadcast %sub3A_258 : i32 to vector<16xi32>
      %sub3A_260 = arith.subi %and3A_257, %sub3A_259 : vector<16xi32>
      %ge3A_261 = arith.constant 0 : i32
      %ge3A_262 = vector.broadcast %ge3A_261 : i32 to vector<16xi32>
      %ge3A_263 = arith.cmpi sge, %sub3A_260, %ge3A_262 : vector<16xi32>
      %sub3A_264 = arith.subi %shift_right_arithmetic3A_254, %add3A_247 : vector<16xi32>
      %sub3A_265 = arith.subi %sub3A_260, %add3A_247 : vector<16xi32>
      %add3A_266 = arith.constant 1 : i32
      %add3A_267 = vector.broadcast %add3A_266 : i32 to vector<16xi32>
      %add3A_268 = arith.addi %add3A_247, %add3A_267 : vector<16xi32>
      %mul3A_269 = arith.constant 2048 : i32
      %mul3A_270 = vector.broadcast %mul3A_269 : i32 to vector<16xi32>
      %mul3A_271 = arith.muli %add3A_268, %mul3A_270 : vector<16xi32>
      %add3A_272 = arith.constant 512 : i32
      %add3A_273 = vector.broadcast %add3A_272 : i32 to vector<16xi32>
      %add3A_274 = arith.addi %sub3A_265, %add3A_273 : vector<16xi32>
      %add3A_275 = arith.addi %mul3A_271, %add3A_274 : vector<16xi32>
      %jit3A_276 = arith.constant -1 : i32
      %broadcast_in_dim3A_277 = vector.broadcast %jit3A_276 : i32 to vector<16xi32>
      %select_n3A_278 = arith.select %ge3A_263, %add3A_275, %broadcast_in_dim3A_277 : vector<16xi1>, vector<16xi32>
      %broadcast_in_dim3A_279 = arith.constant true
      %broadcast_in_dim3A_280 = vector.broadcast %broadcast_in_dim3A_279 : i1 to vector<16xi1>
      %masked_cummax3A_281 = arith.constant -2147483648 : i32
      %masked_cummax3A_282 = vector.broadcast %masked_cummax3A_281 : i32 to vector<16xi32>
      %masked_cummax3A_283 = arith.xori %select_n3A_278, %masked_cummax3A_282 : vector<16xi32>
      %masked_cummax3A_284 = tpu.scan <max>, %masked_cummax3A_283 masked %broadcast_in_dim3A_280 : vector<16xi32>, vector<16xi1> -> vector<16xi32>
      %masked_cummax3A_285 = arith.xori %masked_cummax3A_284, %masked_cummax3A_282 : vector<16xi32>
      %broadcast_in_dim3A_286 = vector.shape_cast %max3A_35 : vector<16xi32> to vector<16x1xi32>
      %gather3A_287 = vector.shape_cast %broadcast_in_dim3A_286 : vector<16x1xi32> to vector<16xi32>
      %gather3A_288 = tpu.dynamic_gather %masked_cummax3A_285[%gather3A_287] in [0] : vector<16xi32>, vector<16xi32> -> vector<16xi32>
      %eq3A_289 = arith.constant 0 : i32
      %eq3A_290 = vector.broadcast %eq3A_289 : i32 to vector<16xi32>
      %eq3A_291 = arith.cmpi eq, %iota3A, %eq3A_290 : vector<16xi32>
      %jit3A_292 = arith.constant -1 : i32
      %broadcast_in_dim3A_293 = vector.broadcast %jit3A_292 : i32 to vector<16xi32>
      %select_n3A_294 = arith.select %eq3A_291, %broadcast_in_dim3A_293, %gather3A_288 : vector<16xi1>, vector<16xi32>
      %broadcast_in_dim3A_295 = vector.broadcast %max3A_239 : i32 to vector<16xi32>
      %max3A_296 = arith.maxsi %select_n3A_294, %broadcast_in_dim3A_295 : vector<16xi32>
      %ge3A_297 = arith.constant 0 : i32
      %ge3A_298 = vector.broadcast %ge3A_297 : i32 to vector<16xi32>
      %ge3A_299 = arith.cmpi sge, %max3A_296, %ge3A_298 : vector<16xi32>
      %and3A_300 = arith.constant 2047 : i32
      %and3A_301 = vector.broadcast %and3A_300 : i32 to vector<16xi32>
      %and3A_302 = arith.andi %max3A_296, %and3A_301 : vector<16xi32>
      %sub3A_303 = arith.constant 512 : i32
      %sub3A_304 = vector.broadcast %sub3A_303 : i32 to vector<16xi32>
      %sub3A_305 = arith.subi %and3A_302, %sub3A_304 : vector<16xi32>
      %and3A_306 = arith.andi %ge3A_263, %ge3A_299 : vector<16xi1>
      %sub3A_307 = arith.subi %sub3A_264, %sub3A_305 : vector<16xi32>
      %abs3A_308 = math.absi %sub3A_307 : vector<16xi32>
      %jit3A_309 = arith.constant 0 : i32
      %broadcast_in_dim3A_310 = vector.broadcast %jit3A_309 : i32 to vector<16xi32>
      %select_n3A_311 = arith.select %and3A_306, %abs3A_308, %broadcast_in_dim3A_310 : vector<16xi1>, vector<16xi32>
      %sub3A_312 = arith.subi %sub3A_260, %shift_right_arithmetic3A_254 : vector<16xi32>
      %jit3A_313 = arith.constant 0 : i32
      %broadcast_in_dim3A_314 = vector.broadcast %jit3A_313 : i32 to vector<16xi32>
      %select_n3A_315 = arith.select %ge3A_263, %sub3A_312, %broadcast_in_dim3A_314 : vector<16xi1>, vector<16xi32>
      %reduce_max3A_316 = arith.constant true
      %reduce_max3A_317 = vector.broadcast %reduce_max3A_316 : i1 to vector<16xi1>
      %reduce_max3A_318 = arith.constant -2147483648 : i32
      %reduce_max3A_319 = vector.broadcast %reduce_max3A_318 : i32 to vector<16xi32>
      %reduce_max3A_320 = arith.xori %select_n3A_278, %reduce_max3A_319 : vector<16xi32>
      %reduce_max3A_321 = tpu.scan <max>, %reduce_max3A_320 masked %reduce_max3A_317 : vector<16xi32>, vector<16xi1> -> vector<16xi32>
      %reduce_max3A_322 = arith.xori %reduce_max3A_321, %reduce_max3A_319 : vector<16xi32>
      %reduce_max3A_323 = vector.extract %reduce_max3A_322[15] : i32 from vector<16xi32>
      %max3A_324 = arith.maxsi %max3A_239, %reduce_max3A_323 : i32
      %add3A_325 = arith.addi %add3A_241, %select_n3A_311 : vector<16xi32>
      %add3A_326 = arith.addi %add3A_325, %select_n3A_315 : vector<16xi32>
      %scan3A_327 = arith.constant 3 : i32
      %scan3A_328 = arith.addi %scan3A_76, %scan3A_327 : i32
      %mul3A_329 = arith.constant 16 : i32
      %mul3A_330 = arith.muli %scan3A_328, %mul3A_329 : i32
      %add3A_331 = vector.broadcast %mul3A_330 : i32 to vector<16xi32>
      %add3A_332 = arith.addi %add3A_331, %iota3A : vector<16xi32>
      %mul3A_333 = arith.constant 16 : i32
      %mul3A_334 = arith.muli %scan3A_328, %mul3A_333 : i32
      %get3A_335 = arith.index_cast %mul3A_334 : i32 to index
      %get3A_336 = tpu.vector_load %arg5[%get3A_335] {strides = array<i32>} : memref<512xi32, #tpu.memory_space<vmem>>, vector<16xi32>,
      %shift_right_arithmetic3A_337 = arith.constant 10 : i32
      %shift_right_arithmetic3A_338 = vector.broadcast %shift_right_arithmetic3A_337 : i32 to vector<16xi32>
      %shift_right_arithmetic3A_339 = arith.shrsi %get3A_336, %shift_right_arithmetic3A_338 : vector<16xi32>
      %and3A_340 = arith.constant 1023 : i32
      %and3A_341 = vector.broadcast %and3A_340 : i32 to vector<16xi32>
      %and3A_342 = arith.andi %get3A_336, %and3A_341 : vector<16xi32>
      %sub3A_343 = arith.constant 1 : i32
      %sub3A_344 = vector.broadcast %sub3A_343 : i32 to vector<16xi32>
      %sub3A_345 = arith.subi %and3A_342, %sub3A_344 : vector<16xi32>
      %ge3A_346 = arith.constant 0 : i32
      %ge3A_347 = vector.broadcast %ge3A_346 : i32 to vector<16xi32>
      %ge3A_348 = arith.cmpi sge, %sub3A_345, %ge3A_347 : vector<16xi32>
      %sub3A_349 = arith.subi %shift_right_arithmetic3A_339, %add3A_332 : vector<16xi32>
      %sub3A_350 = arith.subi %sub3A_345, %add3A_332 : vector<16xi32>
      %add3A_351 = arith.constant 1 : i32
      %add3A_352 = vector.broadcast %add3A_351 : i32 to vector<16xi32>
      %add3A_353 = arith.addi %add3A_332, %add3A_352 : vector<16xi32>
      %mul3A_354 = arith.constant 2048 : i32
      %mul3A_355 = vector.broadcast %mul3A_354 : i32 to vector<16xi32>
      %mul3A_356 = arith.muli %add3A_353, %mul3A_355 : vector<16xi32>
      %add3A_357 = arith.constant 512 : i32
      %add3A_358 = vector.broadcast %add3A_357 : i32 to vector<16xi32>
      %add3A_359 = arith.addi %sub3A_350, %add3A_358 : vector<16xi32>
      %add3A_360 = arith.addi %mul3A_356, %add3A_359 : vector<16xi32>
      %jit3A_361 = arith.constant -1 : i32
      %broadcast_in_dim3A_362 = vector.broadcast %jit3A_361 : i32 to vector<16xi32>
      %select_n3A_363 = arith.select %ge3A_348, %add3A_360, %broadcast_in_dim3A_362 : vector<16xi1>, vector<16xi32>
      %broadcast_in_dim3A_364 = arith.constant true
      %broadcast_in_dim3A_365 = vector.broadcast %broadcast_in_dim3A_364 : i1 to vector<16xi1>
      %masked_cummax3A_366 = arith.constant -2147483648 : i32
      %masked_cummax3A_367 = vector.broadcast %masked_cummax3A_366 : i32 to vector<16xi32>
      %masked_cummax3A_368 = arith.xori %select_n3A_363, %masked_cummax3A_367 : vector<16xi32>
      %masked_cummax3A_369 = tpu.scan <max>, %masked_cummax3A_368 masked %broadcast_in_dim3A_365 : vector<16xi32>, vector<16xi1> -> vector<16xi32>
      %masked_cummax3A_370 = arith.xori %masked_cummax3A_369, %masked_cummax3A_367 : vector<16xi32>
      %broadcast_in_dim3A_371 = vector.shape_cast %max3A_35 : vector<16xi32> to vector<16x1xi32>
      %gather3A_372 = vector.shape_cast %broadcast_in_dim3A_371 : vector<16x1xi32> to vector<16xi32>
      %gather3A_373 = tpu.dynamic_gather %masked_cummax3A_370[%gather3A_372] in [0] : vector<16xi32>, vector<16xi32> -> vector<16xi32>
      %eq3A_374 = arith.constant 0 : i32
      %eq3A_375 = vector.broadcast %eq3A_374 : i32 to vector<16xi32>
      %eq3A_376 = arith.cmpi eq, %iota3A, %eq3A_375 : vector<16xi32>
      %jit3A_377 = arith.constant -1 : i32
      %broadcast_in_dim3A_378 = vector.broadcast %jit3A_377 : i32 to vector<16xi32>
      %select_n3A_379 = arith.select %eq3A_376, %broadcast_in_dim3A_378, %gather3A_373 : vector<16xi1>, vector<16xi32>
      %broadcast_in_dim3A_380 = vector.broadcast %max3A_324 : i32 to vector<16xi32>
      %max3A_381 = arith.maxsi %select_n3A_379, %broadcast_in_dim3A_380 : vector<16xi32>
      %ge3A_382 = arith.constant 0 : i32
      %ge3A_383 = vector.broadcast %ge3A_382 : i32 to vector<16xi32>
      %ge3A_384 = arith.cmpi sge, %max3A_381, %ge3A_383 : vector<16xi32>
      %and3A_385 = arith.constant 2047 : i32
      %and3A_386 = vector.broadcast %and3A_385 : i32 to vector<16xi32>
      %and3A_387 = arith.andi %max3A_381, %and3A_386 : vector<16xi32>
      %sub3A_388 = arith.constant 512 : i32
      %sub3A_389 = vector.broadcast %sub3A_388 : i32 to vector<16xi32>
      %sub3A_390 = arith.subi %and3A_387, %sub3A_389 : vector<16xi32>
      %and3A_391 = arith.andi %ge3A_348, %ge3A_384 : vector<16xi1>
      %sub3A_392 = arith.subi %sub3A_349, %sub3A_390 : vector<16xi32>
      %abs3A_393 = math.absi %sub3A_392 : vector<16xi32>
      %jit3A_394 = arith.constant 0 : i32
      %broadcast_in_dim3A_395 = vector.broadcast %jit3A_394 : i32 to vector<16xi32>
      %select_n3A_396 = arith.select %and3A_391, %abs3A_393, %broadcast_in_dim3A_395 : vector<16xi1>, vector<16xi32>
      %sub3A_397 = arith.subi %sub3A_345, %shift_right_arithmetic3A_339 : vector<16xi32>
      %jit3A_398 = arith.constant 0 : i32
      %broadcast_in_dim3A_399 = vector.broadcast %jit3A_398 : i32 to vector<16xi32>
      %select_n3A_400 = arith.select %ge3A_348, %sub3A_397, %broadcast_in_dim3A_399 : vector<16xi1>, vector<16xi32>
      %reduce_max3A_401 = arith.constant true
      %reduce_max3A_402 = vector.broadcast %reduce_max3A_401 : i1 to vector<16xi1>
      %reduce_max3A_403 = arith.constant -2147483648 : i32
      %reduce_max3A_404 = vector.broadcast %reduce_max3A_403 : i32 to vector<16xi32>
      %reduce_max3A_405 = arith.xori %select_n3A_363, %reduce_max3A_404 : vector<16xi32>
      %reduce_max3A_406 = tpu.scan <max>, %reduce_max3A_405 masked %reduce_max3A_402 : vector<16xi32>, vector<16xi1> -> vector<16xi32>
      %reduce_max3A_407 = arith.xori %reduce_max3A_406, %reduce_max3A_404 : vector<16xi32>
      %reduce_max3A_408 = vector.extract %reduce_max3A_407[15] : i32 from vector<16xi32>
      %max3A_409 = arith.maxsi %max3A_324, %reduce_max3A_408 : i32
      %add3A_410 = arith.addi %add3A_326, %select_n3A_396 : vector<16xi32>
      %add3A_411 = arith.addi %add3A_410, %select_n3A_400 : vector<16xi32>
      scf.yield %max3A_409, %add3A_411 : i32, vector<16xi32>
    }
    %scan3A_42 = arith.constant 32 : i32
    %reduce_sum3A = arith.constant true
    %reduce_sum3A_43 = vector.broadcast %reduce_sum3A : i1 to vector<16xi1>
    %reduce_sum3A_44 = tpu.scan <sum>, %scan3A_41#1 masked %reduce_sum3A_43 : vector<16xi32>, vector<16xi1> -> vector<16xi32>
    %reduce_sum3A_45 = vector.extract %reduce_sum3A_44[15] : i32 from vector<16xi32>
    %broadcast_in_dim3A_46 = vector.broadcast %reduce_sum3A_45 : i32 to vector<16xi32>
    %convert_element_type3A = arith.sitofp %broadcast_in_dim3A_46 : vector<16xi32> to vector<16xf32>
    %get3A = arith.constant 0 : index
    %get3A_47 = tpu.vector_load %arg6[%get3A] {strides = array<i32>} : memref<16xi32, #tpu.memory_space<vmem>>, vector<16xi32>,
    %convert_element_type3A_48 = arith.sitofp %get3A_47 : vector<16xi32> to vector<16xf32>
    %sub3A_49 = arith.constant 1.000000e+00 : f32
    %sub3A_50 = vector.broadcast %sub3A_49 : f32 to vector<16xf32>
    %sub3A_51 = arith.subf %convert_element_type3A_48, %sub3A_50 : vector<16xf32>
    %max3A_52 = arith.constant 1.000000e+00 : f32
    %max3A_53 = vector.broadcast %max3A_52 : f32 to vector<16xf32>
    %max3A_54 = arith.maximumf %sub3A_51, %max3A_53 : vector<16xf32>
    %div3A_55 = arith.divf %convert_element_type3A, %max3A_54 : vector<16xf32>
    %ge3A = arith.constant 2.000000e+00 : f32
    %ge3A_56 = vector.broadcast %ge3A : f32 to vector<16xf32>
    %ge3A_57 = arith.cmpf oge, %convert_element_type3A_48, %ge3A_56 : vector<16xf32>
    %add3A_58 = arith.constant 1.000000e+00 : f32
    %add3A_59 = vector.broadcast %add3A_58 : f32 to vector<16xf32>
    %add3A_60 = arith.addf %convert_element_type3A_48, %add3A_59 : vector<16xf32>
    %div3A_61 = arith.divf %div3A_55, %add3A_60 : vector<16xf32>
    %jit3A_62 = arith.constant 0.000000e+00 : f32
    %broadcast_in_dim3A_63 = vector.broadcast %jit3A_62 : f32 to vector<16xf32>
    %select_n3A_64 = arith.select %ge3A_57, %div3A_61, %broadcast_in_dim3A_63 : vector<16xi1>, vector<16xf32>
    %eq3A_65 = arith.constant 0 : i32
    %eq3A_66 = vector.broadcast %eq3A_65 : i32 to vector<16xi32>
    %eq3A_67 = arith.cmpi eq, %iota3A, %eq3A_66 : vector<16xi32>
    %jit3A_68 = arith.constant 0.000000e+00 : f32
    %broadcast_in_dim3A_69 = vector.broadcast %jit3A_68 : f32 to vector<16xf32>
    %select_n3A_70 = arith.select %eq3A_67, %select_n3A_64, %broadcast_in_dim3A_69 : vector<16xi1>, vector<16xf32>
    %swap3A = arith.constant 0 : index
    %swap3A_71 = tpu.vector_load %arg7[%swap3A] {strides = array<i32>} : memref<16xf32, #tpu.memory_space<vmem>>, vector<16xf32>,
    tpu.vector_store %arg7[%swap3A], %select_n3A_70 {strides = array<i32>} : memref<16xf32, #tpu.memory_space<vmem>>, vector<16xf32>,
    "tpu.region"() ({
      %run_scoped3A = tpu.sem_alloc : memref<!tpu.dma_semaphore, #tpu.memory_space<semaphore_mem>>
      %dma_start3A = arith.constant 0 : i32
      %dma_start3A_76 = tpu.memref_slice %arg4[%add3A, %dma_start3A] : memref<36x16xf32, #tpu.memory_space<hbm>> -> memref<1x16xf32, #tpu.memory_space<hbm>>
      %dma_start3A_77 = tpu.memref_squeeze %dma_start3A_76 : memref<1x16xf32, #tpu.memory_space<hbm>> -> memref<16xf32, #tpu.memory_space<hbm>>
      %dma_start3A_78 = arith.constant 0 : i32
      %dma_start3A_79 = tpu.memref_slice %arg4[%add3A, %dma_start3A_78] : memref<36x16xf32, #tpu.memory_space<hbm>> -> memref<1x16xf32, #tpu.memory_space<hbm>>
      %dma_start3A_80 = tpu.memref_squeeze %dma_start3A_79 : memref<1x16xf32, #tpu.memory_space<hbm>> -> memref<16xf32, #tpu.memory_space<hbm>>
      tpu.enqueue_dma source(%arg7 : memref<16xf32, #tpu.memory_space<vmem>>) target(%dma_start3A_80 : memref<16xf32, #tpu.memory_space<hbm>>) target_semaphore(%run_scoped3A : memref<!tpu.dma_semaphore, #tpu.memory_space<semaphore_mem>>)
      %dma_wait3A = arith.constant 0 : i32
      %dma_wait3A_81 = tpu.memref_slice %arg4[%add3A, %dma_wait3A] : memref<36x16xf32, #tpu.memory_space<hbm>> -> memref<1x16xf32, #tpu.memory_space<hbm>>
      %dma_wait3A_82 = tpu.memref_squeeze %dma_wait3A_81 : memref<1x16xf32, #tpu.memory_space<hbm>> -> memref<16xf32, #tpu.memory_space<hbm>>
      %dma_wait3A_83 = arith.constant 0 : i32
      %dma_wait3A_84 = tpu.memref_slice %arg4[%add3A, %dma_wait3A_83] : memref<36x16xf32, #tpu.memory_space<hbm>> -> memref<1x16xf32, #tpu.memory_space<hbm>>
      %dma_wait3A_85 = tpu.memref_squeeze %dma_wait3A_84 : memref<1x16xf32, #tpu.memory_space<hbm>> -> memref<16xf32, #tpu.memory_space<hbm>>
      tpu.wait_dma2 semaphore(%run_scoped3A : memref<!tpu.dma_semaphore, #tpu.memory_space<semaphore_mem>>) src(%arg7 : memref<16xf32, #tpu.memory_space<vmem>>) dst(%dma_wait3A_85 : memref<16xf32, #tpu.memory_space<hbm>>)
      tpu.yield
    }) : () -> ()
    %lt3A_72 = arith.constant 4 : i32
    %lt3A_73 = arith.cmpi slt, %add3A, %lt3A_72 : i32
    %convert_element_type3A_74 = arith.extui %lt3A_73 : i1 to i32
    %cond3A = arith.constant 0 : i32
    %cond3A_75 = arith.cmpi ne, %convert_element_type3A_74, %cond3A : i32
    scf.if %cond3A_75 {
      %add3A_76 = arith.constant 32 : i32
      %add3A_77 = arith.addi %add3A, %add3A_76 : i32
      %jit3A_78 = arith.constant 18 : i32
      %div3A_79 = arith.divsi %add3A_77, %jit3A_78 : i32
      %sign3A_80 = arith.constant 0 : i32
      %sign3A_81 = arith.cmpi sgt, %add3A_77, %sign3A_80 : i32
      %sign3A_82 = arith.extui %sign3A_81 : i1 to i32
      %sign3A_83 = arith.constant 0 : i32
      %sign3A_84 = arith.cmpi slt, %add3A_77, %sign3A_83 : i32
      %sign3A_85 = arith.extui %sign3A_84 : i1 to i32
      %sign3A_86 = arith.subi %sign3A_82, %sign3A_85 : i32
      %sign3A_87 = arith.constant 0 : i32
      %sign3A_88 = arith.cmpi sgt, %jit3A_78, %sign3A_87 : i32
      %sign3A_89 = arith.extui %sign3A_88 : i1 to i32
      %sign3A_90 = arith.constant 0 : i32
      %sign3A_91 = arith.cmpi slt, %jit3A_78, %sign3A_90 : i32
      %sign3A_92 = arith.extui %sign3A_91 : i1 to i32
      %sign3A_93 = arith.subi %sign3A_89, %sign3A_92 : i32
      %ne3A_94 = arith.cmpi ne, %sign3A_86, %sign3A_93 : i32
      %rem3A_95 = arith.remsi %add3A_77, %jit3A_78 : i32
      %ne3A_96 = arith.constant 0 : i32
      %ne3A_97 = arith.cmpi ne, %rem3A_95, %ne3A_96 : i32
      %and3A_98 = arith.andi %ne3A_94, %ne3A_97 : i1
      %sub3A_99 = arith.constant 1 : i32
      %sub3A_100 = arith.subi %div3A_79, %sub3A_99 : i32
      %select_n3A_101 = arith.select %and3A_98, %sub3A_100, %div3A_79 : i32
      %jit3A_102 = arith.constant 18 : i32
      %eq3A_103 = arith.constant 0 : i32
      %eq3A_104 = arith.cmpi eq, %jit3A_102, %eq3A_103 : i32
      %jit3A_105 = arith.constant 1 : i32
      %select_n3A_106 = arith.select %eq3A_104, %jit3A_105, %jit3A_102 : i32
      %rem3A_107 = arith.remsi %add3A_77, %select_n3A_106 : i32
      %ne3A_108 = arith.constant 0 : i32
      %ne3A_109 = arith.cmpi ne, %rem3A_107, %ne3A_108 : i32
      %lt3A_110 = arith.constant 0 : i32
      %lt3A_111 = arith.cmpi slt, %rem3A_107, %lt3A_110 : i32
      %lt3A_112 = arith.constant 0 : i32
      %lt3A_113 = arith.cmpi slt, %select_n3A_106, %lt3A_112 : i32
      %ne3A_114 = arith.xori %lt3A_111, %lt3A_113 : i1
      %and3A_115 = arith.andi %ne3A_114, %ne3A_109 : i1
      %add3A_116 = arith.addi %rem3A_107, %select_n3A_106 : i32
      %select_n3A_117 = arith.select %and3A_115, %add3A_116, %rem3A_107 : i32
      "tpu.region"() ({
        %run_scoped3A = tpu.sem_alloc : memref<!tpu.dma_semaphore, #tpu.memory_space<semaphore_mem>>
        %dma_start3A = arith.constant 0 : i32
        %dma_start3A_167 = tpu.memref_slice %arg2[%select_n3A_101, %select_n3A_117, %dma_start3A] : memref<2x32x512xi32, #tpu.memory_space<hbm>> -> memref<1x1x512xi32, #tpu.memory_space<hbm>>
        %dma_start3A_168 = tpu.memref_squeeze %dma_start3A_167 : memref<1x1x512xi32, #tpu.memory_space<hbm>> -> memref<512xi32, #tpu.memory_space<hbm>>
        %dma_start3A_169 = arith.constant 0 : i32
        %dma_start3A_170 = tpu.memref_slice %arg2[%select_n3A_101, %select_n3A_117, %dma_start3A_169] : memref<2x32x512xi32, #tpu.memory_space<hbm>> -> memref<1x1x512xi32, #tpu.memory_space<hbm>>
        %dma_start3A_171 = tpu.memref_squeeze %dma_start3A_170 : memref<1x1x512xi32, #tpu.memory_space<hbm>> -> memref<512xi32, #tpu.memory_space<hbm>>
        tpu.enqueue_dma source(%dma_start3A_171 : memref<512xi32, #tpu.memory_space<hbm>>) target(%arg5 : memref<512xi32, #tpu.memory_space<vmem>>) target_semaphore(%run_scoped3A : memref<!tpu.dma_semaphore, #tpu.memory_space<semaphore_mem>>)
        %dma_wait3A = arith.constant 0 : i32
        %dma_wait3A_172 = tpu.memref_slice %arg2[%select_n3A_101, %select_n3A_117, %dma_wait3A] : memref<2x32x512xi32, #tpu.memory_space<hbm>> -> memref<1x1x512xi32, #tpu.memory_space<hbm>>
        %dma_wait3A_173 = tpu.memref_squeeze %dma_wait3A_172 : memref<1x1x512xi32, #tpu.memory_space<hbm>> -> memref<512xi32, #tpu.memory_space<hbm>>
        %dma_wait3A_174 = arith.constant 0 : i32
        %dma_wait3A_175 = tpu.memref_slice %arg2[%select_n3A_101, %select_n3A_117, %dma_wait3A_174] : memref<2x32x512xi32, #tpu.memory_space<hbm>> -> memref<1x1x512xi32, #tpu.memory_space<hbm>>
        %dma_wait3A_176 = tpu.memref_squeeze %dma_wait3A_175 : memref<1x1x512xi32, #tpu.memory_space<hbm>> -> memref<512xi32, #tpu.memory_space<hbm>>
        tpu.wait_dma2 semaphore(%run_scoped3A : memref<!tpu.dma_semaphore, #tpu.memory_space<semaphore_mem>>) src(%dma_wait3A_176 : memref<512xi32, #tpu.memory_space<hbm>>) dst(%arg5 : memref<512xi32, #tpu.memory_space<vmem>>)
        tpu.yield
      }) : () -> ()
      "tpu.region"() ({
        %run_scoped3A = tpu.sem_alloc : memref<!tpu.dma_semaphore, #tpu.memory_space<semaphore_mem>>
        %dma_start3A = arith.constant 0 : i32
        %dma_start3A_167 = tpu.memref_slice %arg3[%select_n3A_101, %select_n3A_117, %dma_start3A] : memref<2x32x16xi32, #tpu.memory_space<hbm>> -> memref<1x1x16xi32, #tpu.memory_space<hbm>>
        %dma_start3A_168 = tpu.memref_squeeze %dma_start3A_167 : memref<1x1x16xi32, #tpu.memory_space<hbm>> -> memref<16xi32, #tpu.memory_space<hbm>>
        %dma_start3A_169 = arith.constant 0 : i32
        %dma_start3A_170 = tpu.memref_slice %arg3[%select_n3A_101, %select_n3A_117, %dma_start3A_169] : memref<2x32x16xi32, #tpu.memory_space<hbm>> -> memref<1x1x16xi32, #tpu.memory_space<hbm>>
        %dma_start3A_171 = tpu.memref_squeeze %dma_start3A_170 : memref<1x1x16xi32, #tpu.memory_space<hbm>> -> memref<16xi32, #tpu.memory_space<hbm>>
        tpu.enqueue_dma source(%dma_start3A_171 : memref<16xi32, #tpu.memory_space<hbm>>) target(%arg6 : memref<16xi32, #tpu.memory_space<vmem>>) target_semaphore(%run_scoped3A : memref<!tpu.dma_semaphore, #tpu.memory_space<semaphore_mem>>)
        %dma_wait3A = arith.constant 0 : i32
        %dma_wait3A_172 = tpu.memref_slice %arg3[%select_n3A_101, %select_n3A_117, %dma_wait3A] : memref<2x32x16xi32, #tpu.memory_space<hbm>> -> memref<1x1x16xi32, #tpu.memory_space<hbm>>
        %dma_wait3A_173 = tpu.memref_squeeze %dma_wait3A_172 : memref<1x1x16xi32, #tpu.memory_space<hbm>> -> memref<16xi32, #tpu.memory_space<hbm>>
        %dma_wait3A_174 = arith.constant 0 : i32
        %dma_wait3A_175 = tpu.memref_slice %arg3[%select_n3A_101, %select_n3A_117, %dma_wait3A_174] : memref<2x32x16xi32, #tpu.memory_space<hbm>> -> memref<1x1x16xi32, #tpu.memory_space<hbm>>
        %dma_wait3A_176 = tpu.memref_squeeze %dma_wait3A_175 : memref<1x1x16xi32, #tpu.memory_space<hbm>> -> memref<16xi32, #tpu.memory_space<hbm>>
        tpu.wait_dma2 semaphore(%run_scoped3A : memref<!tpu.dma_semaphore, #tpu.memory_space<semaphore_mem>>) src(%dma_wait3A_176 : memref<16xi32, #tpu.memory_space<hbm>>) dst(%arg6 : memref<16xi32, #tpu.memory_space<vmem>>)
        tpu.yield
      }) : () -> ()
      %sub3A_118 = arith.constant 1 : i32
      %sub3A_119 = vector.broadcast %sub3A_118 : i32 to vector<16xi32>
      %sub3A_120 = arith.subi %iota3A, %sub3A_119 : vector<16xi32>
      %max3A_121 = arith.constant 0 : i32
      %max3A_122 = vector.broadcast %max3A_121 : i32 to vector<16xi32>
      %max3A_123 = arith.maxsi %sub3A_120, %max3A_122 : vector<16xi32>
      %broadcast_in_dim3A_124 = arith.constant 0 : i32
      %broadcast_in_dim3A_125 = vector.broadcast %broadcast_in_dim3A_124 : i32 to vector<16xi32>
      %scan3A_126 = arith.constant -1 : i32
      %scan3A_127 = arith.constant 0 : i32
      %scan3A_128 = arith.constant 32 : i32
      %scan3A_129 = arith.addi %scan3A_127, %scan3A_128 : i32
      %scan3A_130 = arith.constant 4 : i32
      %scan3A_131:2 = scf.for %scan3A_167 = %scan3A_127 to %scan3A_129 step %scan3A_130 iter_args(%scan3A_168 = %scan3A_126, %scan3A_169 = %broadcast_in_dim3A_125) -> (i32, vector<16xi32>)  : i32 {
        %mul3A_170 = arith.constant 16 : i32
        %mul3A_171 = arith.muli %scan3A_167, %mul3A_170 : i32
        %add3A_172 = vector.broadcast %mul3A_171 : i32 to vector<16xi32>
        %add3A_173 = arith.addi %add3A_172, %iota3A : vector<16xi32>
        %mul3A_174 = arith.constant 16 : i32
        %mul3A_175 = arith.muli %scan3A_167, %mul3A_174 : i32
        %get3A_176 = arith.index_cast %mul3A_175 : i32 to index
        %get3A_177 = tpu.vector_load %arg5[%get3A_176] {strides = array<i32>} : memref<512xi32, #tpu.memory_space<vmem>>, vector<16xi32>,
        %shift_right_arithmetic3A = arith.constant 10 : i32
        %shift_right_arithmetic3A_178 = vector.broadcast %shift_right_arithmetic3A : i32 to vector<16xi32>
        %shift_right_arithmetic3A_179 = arith.shrsi %get3A_177, %shift_right_arithmetic3A_178 : vector<16xi32>
        %and3A_180 = arith.constant 1023 : i32
        %and3A_181 = vector.broadcast %and3A_180 : i32 to vector<16xi32>
        %and3A_182 = arith.andi %get3A_177, %and3A_181 : vector<16xi32>
        %sub3A_183 = arith.constant 1 : i32
        %sub3A_184 = vector.broadcast %sub3A_183 : i32 to vector<16xi32>
        %sub3A_185 = arith.subi %and3A_182, %sub3A_184 : vector<16xi32>
        %ge3A_186 = arith.constant 0 : i32
        %ge3A_187 = vector.broadcast %ge3A_186 : i32 to vector<16xi32>
        %ge3A_188 = arith.cmpi sge, %sub3A_185, %ge3A_187 : vector<16xi32>
        %sub3A_189 = arith.subi %shift_right_arithmetic3A_179, %add3A_173 : vector<16xi32>
        %sub3A_190 = arith.subi %sub3A_185, %add3A_173 : vector<16xi32>
        %add3A_191 = arith.constant 1 : i32
        %add3A_192 = vector.broadcast %add3A_191 : i32 to vector<16xi32>
        %add3A_193 = arith.addi %add3A_173, %add3A_192 : vector<16xi32>
        %mul3A_194 = arith.constant 2048 : i32
        %mul3A_195 = vector.broadcast %mul3A_194 : i32 to vector<16xi32>
        %mul3A_196 = arith.muli %add3A_193, %mul3A_195 : vector<16xi32>
        %add3A_197 = arith.constant 512 : i32
        %add3A_198 = vector.broadcast %add3A_197 : i32 to vector<16xi32>
        %add3A_199 = arith.addi %sub3A_190, %add3A_198 : vector<16xi32>
        %add3A_200 = arith.addi %mul3A_196, %add3A_199 : vector<16xi32>
        %jit3A_201 = arith.constant -1 : i32
        %broadcast_in_dim3A_202 = vector.broadcast %jit3A_201 : i32 to vector<16xi32>
        %select_n3A_203 = arith.select %ge3A_188, %add3A_200, %broadcast_in_dim3A_202 : vector<16xi1>, vector<16xi32>
        %broadcast_in_dim3A_204 = arith.constant true
        %broadcast_in_dim3A_205 = vector.broadcast %broadcast_in_dim3A_204 : i1 to vector<16xi1>
        %masked_cummax3A = arith.constant -2147483648 : i32
        %masked_cummax3A_206 = vector.broadcast %masked_cummax3A : i32 to vector<16xi32>
        %masked_cummax3A_207 = arith.xori %select_n3A_203, %masked_cummax3A_206 : vector<16xi32>
        %masked_cummax3A_208 = tpu.scan <max>, %masked_cummax3A_207 masked %broadcast_in_dim3A_205 : vector<16xi32>, vector<16xi1> -> vector<16xi32>
        %masked_cummax3A_209 = arith.xori %masked_cummax3A_208, %masked_cummax3A_206 : vector<16xi32>
        %broadcast_in_dim3A_210 = vector.shape_cast %max3A_123 : vector<16xi32> to vector<16x1xi32>
        %gather3A = vector.shape_cast %broadcast_in_dim3A_210 : vector<16x1xi32> to vector<16xi32>
        %gather3A_211 = tpu.dynamic_gather %masked_cummax3A_209[%gather3A] in [0] : vector<16xi32>, vector<16xi32> -> vector<16xi32>
        %eq3A_212 = arith.constant 0 : i32
        %eq3A_213 = vector.broadcast %eq3A_212 : i32 to vector<16xi32>
        %eq3A_214 = arith.cmpi eq, %iota3A, %eq3A_213 : vector<16xi32>
        %jit3A_215 = arith.constant -1 : i32
        %broadcast_in_dim3A_216 = vector.broadcast %jit3A_215 : i32 to vector<16xi32>
        %select_n3A_217 = arith.select %eq3A_214, %broadcast_in_dim3A_216, %gather3A_211 : vector<16xi1>, vector<16xi32>
        %broadcast_in_dim3A_218 = vector.broadcast %scan3A_168 : i32 to vector<16xi32>
        %max3A_219 = arith.maxsi %select_n3A_217, %broadcast_in_dim3A_218 : vector<16xi32>
        %ge3A_220 = arith.constant 0 : i32
        %ge3A_221 = vector.broadcast %ge3A_220 : i32 to vector<16xi32>
        %ge3A_222 = arith.cmpi sge, %max3A_219, %ge3A_221 : vector<16xi32>
        %and3A_223 = arith.constant 2047 : i32
        %and3A_224 = vector.broadcast %and3A_223 : i32 to vector<16xi32>
        %and3A_225 = arith.andi %max3A_219, %and3A_224 : vector<16xi32>
        %sub3A_226 = arith.constant 512 : i32
        %sub3A_227 = vector.broadcast %sub3A_226 : i32 to vector<16xi32>
        %sub3A_228 = arith.subi %and3A_225, %sub3A_227 : vector<16xi32>
        %and3A_229 = arith.andi %ge3A_188, %ge3A_222 : vector<16xi1>
        %sub3A_230 = arith.subi %sub3A_189, %sub3A_228 : vector<16xi32>
        %abs3A = math.absi %sub3A_230 : vector<16xi32>
        %jit3A_231 = arith.constant 0 : i32
        %broadcast_in_dim3A_232 = vector.broadcast %jit3A_231 : i32 to vector<16xi32>
        %select_n3A_233 = arith.select %and3A_229, %abs3A, %broadcast_in_dim3A_232 : vector<16xi1>, vector<16xi32>
        %sub3A_234 = arith.subi %sub3A_185, %shift_right_arithmetic3A_179 : vector<16xi32>
        %jit3A_235 = arith.constant 0 : i32
        %broadcast_in_dim3A_236 = vector.broadcast %jit3A_235 : i32 to vector<16xi32>
        %select_n3A_237 = arith.select %ge3A_188, %sub3A_234, %broadcast_in_dim3A_236 : vector<16xi1>, vector<16xi32>
        %reduce_max3A = arith.constant true
        %reduce_max3A_238 = vector.broadcast %reduce_max3A : i1 to vector<16xi1>
        %reduce_max3A_239 = arith.constant -2147483648 : i32
        %reduce_max3A_240 = vector.broadcast %reduce_max3A_239 : i32 to vector<16xi32>
        %reduce_max3A_241 = arith.xori %select_n3A_203, %reduce_max3A_240 : vector<16xi32>
        %reduce_max3A_242 = tpu.scan <max>, %reduce_max3A_241 masked %reduce_max3A_238 : vector<16xi32>, vector<16xi1> -> vector<16xi32>
        %reduce_max3A_243 = arith.xori %reduce_max3A_242, %reduce_max3A_240 : vector<16xi32>
        %reduce_max3A_244 = vector.extract %reduce_max3A_243[15] : i32 from vector<16xi32>
        %max3A_245 = arith.maxsi %scan3A_168, %reduce_max3A_244 : i32
        %add3A_246 = arith.addi %scan3A_169, %select_n3A_233 : vector<16xi32>
        %add3A_247 = arith.addi %add3A_246, %select_n3A_237 : vector<16xi32>
        %scan3A_248 = arith.constant 1 : i32
        %scan3A_249 = arith.addi %scan3A_167, %scan3A_248 : i32
        %mul3A_250 = arith.constant 16 : i32
        %mul3A_251 = arith.muli %scan3A_249, %mul3A_250 : i32
        %add3A_252 = vector.broadcast %mul3A_251 : i32 to vector<16xi32>
        %add3A_253 = arith.addi %add3A_252, %iota3A : vector<16xi32>
        %mul3A_254 = arith.constant 16 : i32
        %mul3A_255 = arith.muli %scan3A_249, %mul3A_254 : i32
        %get3A_256 = arith.index_cast %mul3A_255 : i32 to index
        %get3A_257 = tpu.vector_load %arg5[%get3A_256] {strides = array<i32>} : memref<512xi32, #tpu.memory_space<vmem>>, vector<16xi32>,
        %shift_right_arithmetic3A_258 = arith.constant 10 : i32
        %shift_right_arithmetic3A_259 = vector.broadcast %shift_right_arithmetic3A_258 : i32 to vector<16xi32>
        %shift_right_arithmetic3A_260 = arith.shrsi %get3A_257, %shift_right_arithmetic3A_259 : vector<16xi32>
        %and3A_261 = arith.constant 1023 : i32
        %and3A_262 = vector.broadcast %and3A_261 : i32 to vector<16xi32>
        %and3A_263 = arith.andi %get3A_257, %and3A_262 : vector<16xi32>
        %sub3A_264 = arith.constant 1 : i32
        %sub3A_265 = vector.broadcast %sub3A_264 : i32 to vector<16xi32>
        %sub3A_266 = arith.subi %and3A_263, %sub3A_265 : vector<16xi32>
        %ge3A_267 = arith.constant 0 : i32
        %ge3A_268 = vector.broadcast %ge3A_267 : i32 to vector<16xi32>
        %ge3A_269 = arith.cmpi sge, %sub3A_266, %ge3A_268 : vector<16xi32>
        %sub3A_270 = arith.subi %shift_right_arithmetic3A_260, %add3A_253 : vector<16xi32>
        %sub3A_271 = arith.subi %sub3A_266, %add3A_253 : vector<16xi32>
        %add3A_272 = arith.constant 1 : i32
        %add3A_273 = vector.broadcast %add3A_272 : i32 to vector<16xi32>
        %add3A_274 = arith.addi %add3A_253, %add3A_273 : vector<16xi32>
        %mul3A_275 = arith.constant 2048 : i32
        %mul3A_276 = vector.broadcast %mul3A_275 : i32 to vector<16xi32>
        %mul3A_277 = arith.muli %add3A_274, %mul3A_276 : vector<16xi32>
        %add3A_278 = arith.constant 512 : i32
        %add3A_279 = vector.broadcast %add3A_278 : i32 to vector<16xi32>
        %add3A_280 = arith.addi %sub3A_271, %add3A_279 : vector<16xi32>
        %add3A_281 = arith.addi %mul3A_277, %add3A_280 : vector<16xi32>
        %jit3A_282 = arith.constant -1 : i32
        %broadcast_in_dim3A_283 = vector.broadcast %jit3A_282 : i32 to vector<16xi32>
        %select_n3A_284 = arith.select %ge3A_269, %add3A_281, %broadcast_in_dim3A_283 : vector<16xi1>, vector<16xi32>
        %broadcast_in_dim3A_285 = arith.constant true
        %broadcast_in_dim3A_286 = vector.broadcast %broadcast_in_dim3A_285 : i1 to vector<16xi1>
        %masked_cummax3A_287 = arith.constant -2147483648 : i32
        %masked_cummax3A_288 = vector.broadcast %masked_cummax3A_287 : i32 to vector<16xi32>
        %masked_cummax3A_289 = arith.xori %select_n3A_284, %masked_cummax3A_288 : vector<16xi32>
        %masked_cummax3A_290 = tpu.scan <max>, %masked_cummax3A_289 masked %broadcast_in_dim3A_286 : vector<16xi32>, vector<16xi1> -> vector<16xi32>
        %masked_cummax3A_291 = arith.xori %masked_cummax3A_290, %masked_cummax3A_288 : vector<16xi32>
        %broadcast_in_dim3A_292 = vector.shape_cast %max3A_123 : vector<16xi32> to vector<16x1xi32>
        %gather3A_293 = vector.shape_cast %broadcast_in_dim3A_292 : vector<16x1xi32> to vector<16xi32>
        %gather3A_294 = tpu.dynamic_gather %masked_cummax3A_291[%gather3A_293] in [0] : vector<16xi32>, vector<16xi32> -> vector<16xi32>
        %eq3A_295 = arith.constant 0 : i32
        %eq3A_296 = vector.broadcast %eq3A_295 : i32 to vector<16xi32>
        %eq3A_297 = arith.cmpi eq, %iota3A, %eq3A_296 : vector<16xi32>
        %jit3A_298 = arith.constant -1 : i32
        %broadcast_in_dim3A_299 = vector.broadcast %jit3A_298 : i32 to vector<16xi32>
        %select_n3A_300 = arith.select %eq3A_297, %broadcast_in_dim3A_299, %gather3A_294 : vector<16xi1>, vector<16xi32>
        %broadcast_in_dim3A_301 = vector.broadcast %max3A_245 : i32 to vector<16xi32>
        %max3A_302 = arith.maxsi %select_n3A_300, %broadcast_in_dim3A_301 : vector<16xi32>
        %ge3A_303 = arith.constant 0 : i32
        %ge3A_304 = vector.broadcast %ge3A_303 : i32 to vector<16xi32>
        %ge3A_305 = arith.cmpi sge, %max3A_302, %ge3A_304 : vector<16xi32>
        %and3A_306 = arith.constant 2047 : i32
        %and3A_307 = vector.broadcast %and3A_306 : i32 to vector<16xi32>
        %and3A_308 = arith.andi %max3A_302, %and3A_307 : vector<16xi32>
        %sub3A_309 = arith.constant 512 : i32
        %sub3A_310 = vector.broadcast %sub3A_309 : i32 to vector<16xi32>
        %sub3A_311 = arith.subi %and3A_308, %sub3A_310 : vector<16xi32>
        %and3A_312 = arith.andi %ge3A_269, %ge3A_305 : vector<16xi1>
        %sub3A_313 = arith.subi %sub3A_270, %sub3A_311 : vector<16xi32>
        %abs3A_314 = math.absi %sub3A_313 : vector<16xi32>
        %jit3A_315 = arith.constant 0 : i32
        %broadcast_in_dim3A_316 = vector.broadcast %jit3A_315 : i32 to vector<16xi32>
        %select_n3A_317 = arith.select %and3A_312, %abs3A_314, %broadcast_in_dim3A_316 : vector<16xi1>, vector<16xi32>
        %sub3A_318 = arith.subi %sub3A_266, %shift_right_arithmetic3A_260 : vector<16xi32>
        %jit3A_319 = arith.constant 0 : i32
        %broadcast_in_dim3A_320 = vector.broadcast %jit3A_319 : i32 to vector<16xi32>
        %select_n3A_321 = arith.select %ge3A_269, %sub3A_318, %broadcast_in_dim3A_320 : vector<16xi1>, vector<16xi32>
        %reduce_max3A_322 = arith.constant true
        %reduce_max3A_323 = vector.broadcast %reduce_max3A_322 : i1 to vector<16xi1>
        %reduce_max3A_324 = arith.constant -2147483648 : i32
        %reduce_max3A_325 = vector.broadcast %reduce_max3A_324 : i32 to vector<16xi32>
        %reduce_max3A_326 = arith.xori %select_n3A_284, %reduce_max3A_325 : vector<16xi32>
        %reduce_max3A_327 = tpu.scan <max>, %reduce_max3A_326 masked %reduce_max3A_323 : vector<16xi32>, vector<16xi1> -> vector<16xi32>
        %reduce_max3A_328 = arith.xori %reduce_max3A_327, %reduce_max3A_325 : vector<16xi32>
        %reduce_max3A_329 = vector.extract %reduce_max3A_328[15] : i32 from vector<16xi32>
        %max3A_330 = arith.maxsi %max3A_245, %reduce_max3A_329 : i32
        %add3A_331 = arith.addi %add3A_247, %select_n3A_317 : vector<16xi32>
        %add3A_332 = arith.addi %add3A_331, %select_n3A_321 : vector<16xi32>
        %scan3A_333 = arith.constant 2 : i32
        %scan3A_334 = arith.addi %scan3A_167, %scan3A_333 : i32
        %mul3A_335 = arith.constant 16 : i32
        %mul3A_336 = arith.muli %scan3A_334, %mul3A_335 : i32
        %add3A_337 = vector.broadcast %mul3A_336 : i32 to vector<16xi32>
        %add3A_338 = arith.addi %add3A_337, %iota3A : vector<16xi32>
        %mul3A_339 = arith.constant 16 : i32
        %mul3A_340 = arith.muli %scan3A_334, %mul3A_339 : i32
        %get3A_341 = arith.index_cast %mul3A_340 : i32 to index
        %get3A_342 = tpu.vector_load %arg5[%get3A_341] {strides = array<i32>} : memref<512xi32, #tpu.memory_space<vmem>>, vector<16xi32>,
        %shift_right_arithmetic3A_343 = arith.constant 10 : i32
        %shift_right_arithmetic3A_344 = vector.broadcast %shift_right_arithmetic3A_343 : i32 to vector<16xi32>
        %shift_right_arithmetic3A_345 = arith.shrsi %get3A_342, %shift_right_arithmetic3A_344 : vector<16xi32>
        %and3A_346 = arith.constant 1023 : i32
        %and3A_347 = vector.broadcast %and3A_346 : i32 to vector<16xi32>
        %and3A_348 = arith.andi %get3A_342, %and3A_347 : vector<16xi32>
        %sub3A_349 = arith.constant 1 : i32
        %sub3A_350 = vector.broadcast %sub3A_349 : i32 to vector<16xi32>
        %sub3A_351 = arith.subi %and3A_348, %sub3A_350 : vector<16xi32>
        %ge3A_352 = arith.constant 0 : i32
        %ge3A_353 = vector.broadcast %ge3A_352 : i32 to vector<16xi32>
        %ge3A_354 = arith.cmpi sge, %sub3A_351, %ge3A_353 : vector<16xi32>
        %sub3A_355 = arith.subi %shift_right_arithmetic3A_345, %add3A_338 : vector<16xi32>
        %sub3A_356 = arith.subi %sub3A_351, %add3A_338 : vector<16xi32>
        %add3A_357 = arith.constant 1 : i32
        %add3A_358 = vector.broadcast %add3A_357 : i32 to vector<16xi32>
        %add3A_359 = arith.addi %add3A_338, %add3A_358 : vector<16xi32>
        %mul3A_360 = arith.constant 2048 : i32
        %mul3A_361 = vector.broadcast %mul3A_360 : i32 to vector<16xi32>
        %mul3A_362 = arith.muli %add3A_359, %mul3A_361 : vector<16xi32>
        %add3A_363 = arith.constant 512 : i32
        %add3A_364 = vector.broadcast %add3A_363 : i32 to vector<16xi32>
        %add3A_365 = arith.addi %sub3A_356, %add3A_364 : vector<16xi32>
        %add3A_366 = arith.addi %mul3A_362, %add3A_365 : vector<16xi32>
        %jit3A_367 = arith.constant -1 : i32
        %broadcast_in_dim3A_368 = vector.broadcast %jit3A_367 : i32 to vector<16xi32>
        %select_n3A_369 = arith.select %ge3A_354, %add3A_366, %broadcast_in_dim3A_368 : vector<16xi1>, vector<16xi32>
        %broadcast_in_dim3A_370 = arith.constant true
        %broadcast_in_dim3A_371 = vector.broadcast %broadcast_in_dim3A_370 : i1 to vector<16xi1>
        %masked_cummax3A_372 = arith.constant -2147483648 : i32
        %masked_cummax3A_373 = vector.broadcast %masked_cummax3A_372 : i32 to vector<16xi32>
        %masked_cummax3A_374 = arith.xori %select_n3A_369, %masked_cummax3A_373 : vector<16xi32>
        %masked_cummax3A_375 = tpu.scan <max>, %masked_cummax3A_374 masked %broadcast_in_dim3A_371 : vector<16xi32>, vector<16xi1> -> vector<16xi32>
        %masked_cummax3A_376 = arith.xori %masked_cummax3A_375, %masked_cummax3A_373 : vector<16xi32>
        %broadcast_in_dim3A_377 = vector.shape_cast %max3A_123 : vector<16xi32> to vector<16x1xi32>
        %gather3A_378 = vector.shape_cast %broadcast_in_dim3A_377 : vector<16x1xi32> to vector<16xi32>
        %gather3A_379 = tpu.dynamic_gather %masked_cummax3A_376[%gather3A_378] in [0] : vector<16xi32>, vector<16xi32> -> vector<16xi32>
        %eq3A_380 = arith.constant 0 : i32
        %eq3A_381 = vector.broadcast %eq3A_380 : i32 to vector<16xi32>
        %eq3A_382 = arith.cmpi eq, %iota3A, %eq3A_381 : vector<16xi32>
        %jit3A_383 = arith.constant -1 : i32
        %broadcast_in_dim3A_384 = vector.broadcast %jit3A_383 : i32 to vector<16xi32>
        %select_n3A_385 = arith.select %eq3A_382, %broadcast_in_dim3A_384, %gather3A_379 : vector<16xi1>, vector<16xi32>
        %broadcast_in_dim3A_386 = vector.broadcast %max3A_330 : i32 to vector<16xi32>
        %max3A_387 = arith.maxsi %select_n3A_385, %broadcast_in_dim3A_386 : vector<16xi32>
        %ge3A_388 = arith.constant 0 : i32
        %ge3A_389 = vector.broadcast %ge3A_388 : i32 to vector<16xi32>
        %ge3A_390 = arith.cmpi sge, %max3A_387, %ge3A_389 : vector<16xi32>
        %and3A_391 = arith.constant 2047 : i32
        %and3A_392 = vector.broadcast %and3A_391 : i32 to vector<16xi32>
        %and3A_393 = arith.andi %max3A_387, %and3A_392 : vector<16xi32>
        %sub3A_394 = arith.constant 512 : i32
        %sub3A_395 = vector.broadcast %sub3A_394 : i32 to vector<16xi32>
        %sub3A_396 = arith.subi %and3A_393, %sub3A_395 : vector<16xi32>
        %and3A_397 = arith.andi %ge3A_354, %ge3A_390 : vector<16xi1>
        %sub3A_398 = arith.subi %sub3A_355, %sub3A_396 : vector<16xi32>
        %abs3A_399 = math.absi %sub3A_398 : vector<16xi32>
        %jit3A_400 = arith.constant 0 : i32
        %broadcast_in_dim3A_401 = vector.broadcast %jit3A_400 : i32 to vector<16xi32>
        %select_n3A_402 = arith.select %and3A_397, %abs3A_399, %broadcast_in_dim3A_401 : vector<16xi1>, vector<16xi32>
        %sub3A_403 = arith.subi %sub3A_351, %shift_right_arithmetic3A_345 : vector<16xi32>
        %jit3A_404 = arith.constant 0 : i32
        %broadcast_in_dim3A_405 = vector.broadcast %jit3A_404 : i32 to vector<16xi32>
        %select_n3A_406 = arith.select %ge3A_354, %sub3A_403, %broadcast_in_dim3A_405 : vector<16xi1>, vector<16xi32>
        %reduce_max3A_407 = arith.constant true
        %reduce_max3A_408 = vector.broadcast %reduce_max3A_407 : i1 to vector<16xi1>
        %reduce_max3A_409 = arith.constant -2147483648 : i32
        %reduce_max3A_410 = vector.broadcast %reduce_max3A_409 : i32 to vector<16xi32>
        %reduce_max3A_411 = arith.xori %select_n3A_369, %reduce_max3A_410 : vector<16xi32>
        %reduce_max3A_412 = tpu.scan <max>, %reduce_max3A_411 masked %reduce_max3A_408 : vector<16xi32>, vector<16xi1> -> vector<16xi32>
        %reduce_max3A_413 = arith.xori %reduce_max3A_412, %reduce_max3A_410 : vector<16xi32>
        %reduce_max3A_414 = vector.extract %reduce_max3A_413[15] : i32 from vector<16xi32>
        %max3A_415 = arith.maxsi %max3A_330, %reduce_max3A_414 : i32
        %add3A_416 = arith.addi %add3A_332, %select_n3A_402 : vector<16xi32>
        %add3A_417 = arith.addi %add3A_416, %select_n3A_406 : vector<16xi32>
        %scan3A_418 = arith.constant 3 : i32
        %scan3A_419 = arith.addi %scan3A_167, %scan3A_418 : i32
        %mul3A_420 = arith.constant 16 : i32
        %mul3A_421 = arith.muli %scan3A_419, %mul3A_420 : i32
        %add3A_422 = vector.broadcast %mul3A_421 : i32 to vector<16xi32>
        %add3A_423 = arith.addi %add3A_422, %iota3A : vector<16xi32>
        %mul3A_424 = arith.constant 16 : i32
        %mul3A_425 = arith.muli %scan3A_419, %mul3A_424 : i32
        %get3A_426 = arith.index_cast %mul3A_425 : i32 to index
        %get3A_427 = tpu.vector_load %arg5[%get3A_426] {strides = array<i32>} : memref<512xi32, #tpu.memory_space<vmem>>, vector<16xi32>,
        %shift_right_arithmetic3A_428 = arith.constant 10 : i32
        %shift_right_arithmetic3A_429 = vector.broadcast %shift_right_arithmetic3A_428 : i32 to vector<16xi32>
        %shift_right_arithmetic3A_430 = arith.shrsi %get3A_427, %shift_right_arithmetic3A_429 : vector<16xi32>
        %and3A_431 = arith.constant 1023 : i32
        %and3A_432 = vector.broadcast %and3A_431 : i32 to vector<16xi32>
        %and3A_433 = arith.andi %get3A_427, %and3A_432 : vector<16xi32>
        %sub3A_434 = arith.constant 1 : i32
        %sub3A_435 = vector.broadcast %sub3A_434 : i32 to vector<16xi32>
        %sub3A_436 = arith.subi %and3A_433, %sub3A_435 : vector<16xi32>
        %ge3A_437 = arith.constant 0 : i32
        %ge3A_438 = vector.broadcast %ge3A_437 : i32 to vector<16xi32>
        %ge3A_439 = arith.cmpi sge, %sub3A_436, %ge3A_438 : vector<16xi32>
        %sub3A_440 = arith.subi %shift_right_arithmetic3A_430, %add3A_423 : vector<16xi32>
        %sub3A_441 = arith.subi %sub3A_436, %add3A_423 : vector<16xi32>
        %add3A_442 = arith.constant 1 : i32
        %add3A_443 = vector.broadcast %add3A_442 : i32 to vector<16xi32>
        %add3A_444 = arith.addi %add3A_423, %add3A_443 : vector<16xi32>
        %mul3A_445 = arith.constant 2048 : i32
        %mul3A_446 = vector.broadcast %mul3A_445 : i32 to vector<16xi32>
        %mul3A_447 = arith.muli %add3A_444, %mul3A_446 : vector<16xi32>
        %add3A_448 = arith.constant 512 : i32
        %add3A_449 = vector.broadcast %add3A_448 : i32 to vector<16xi32>
        %add3A_450 = arith.addi %sub3A_441, %add3A_449 : vector<16xi32>
        %add3A_451 = arith.addi %mul3A_447, %add3A_450 : vector<16xi32>
        %jit3A_452 = arith.constant -1 : i32
        %broadcast_in_dim3A_453 = vector.broadcast %jit3A_452 : i32 to vector<16xi32>
        %select_n3A_454 = arith.select %ge3A_439, %add3A_451, %broadcast_in_dim3A_453 : vector<16xi1>, vector<16xi32>
        %broadcast_in_dim3A_455 = arith.constant true
        %broadcast_in_dim3A_456 = vector.broadcast %broadcast_in_dim3A_455 : i1 to vector<16xi1>
        %masked_cummax3A_457 = arith.constant -2147483648 : i32
        %masked_cummax3A_458 = vector.broadcast %masked_cummax3A_457 : i32 to vector<16xi32>
        %masked_cummax3A_459 = arith.xori %select_n3A_454, %masked_cummax3A_458 : vector<16xi32>
        %masked_cummax3A_460 = tpu.scan <max>, %masked_cummax3A_459 masked %broadcast_in_dim3A_456 : vector<16xi32>, vector<16xi1> -> vector<16xi32>
        %masked_cummax3A_461 = arith.xori %masked_cummax3A_460, %masked_cummax3A_458 : vector<16xi32>
        %broadcast_in_dim3A_462 = vector.shape_cast %max3A_123 : vector<16xi32> to vector<16x1xi32>
        %gather3A_463 = vector.shape_cast %broadcast_in_dim3A_462 : vector<16x1xi32> to vector<16xi32>
        %gather3A_464 = tpu.dynamic_gather %masked_cummax3A_461[%gather3A_463] in [0] : vector<16xi32>, vector<16xi32> -> vector<16xi32>
        %eq3A_465 = arith.constant 0 : i32
        %eq3A_466 = vector.broadcast %eq3A_465 : i32 to vector<16xi32>
        %eq3A_467 = arith.cmpi eq, %iota3A, %eq3A_466 : vector<16xi32>
        %jit3A_468 = arith.constant -1 : i32
        %broadcast_in_dim3A_469 = vector.broadcast %jit3A_468 : i32 to vector<16xi32>
        %select_n3A_470 = arith.select %eq3A_467, %broadcast_in_dim3A_469, %gather3A_464 : vector<16xi1>, vector<16xi32>
        %broadcast_in_dim3A_471 = vector.broadcast %max3A_415 : i32 to vector<16xi32>
        %max3A_472 = arith.maxsi %select_n3A_470, %broadcast_in_dim3A_471 : vector<16xi32>
        %ge3A_473 = arith.constant 0 : i32
        %ge3A_474 = vector.broadcast %ge3A_473 : i32 to vector<16xi32>
        %ge3A_475 = arith.cmpi sge, %max3A_472, %ge3A_474 : vector<16xi32>
        %and3A_476 = arith.constant 2047 : i32
        %and3A_477 = vector.broadcast %and3A_476 : i32 to vector<16xi32>
        %and3A_478 = arith.andi %max3A_472, %and3A_477 : vector<16xi32>
        %sub3A_479 = arith.constant 512 : i32
        %sub3A_480 = vector.broadcast %sub3A_479 : i32 to vector<16xi32>
        %sub3A_481 = arith.subi %and3A_478, %sub3A_480 : vector<16xi32>
        %and3A_482 = arith.andi %ge3A_439, %ge3A_475 : vector<16xi1>
        %sub3A_483 = arith.subi %sub3A_440, %sub3A_481 : vector<16xi32>
        %abs3A_484 = math.absi %sub3A_483 : vector<16xi32>
        %jit3A_485 = arith.constant 0 : i32
        %broadcast_in_dim3A_486 = vector.broadcast %jit3A_485 : i32 to vector<16xi32>
        %select_n3A_487 = arith.select %and3A_482, %abs3A_484, %broadcast_in_dim3A_486 : vector<16xi1>, vector<16xi32>
        %sub3A_488 = arith.subi %sub3A_436, %shift_right_arithmetic3A_430 : vector<16xi32>
        %jit3A_489 = arith.constant 0 : i32
        %broadcast_in_dim3A_490 = vector.broadcast %jit3A_489 : i32 to vector<16xi32>
        %select_n3A_491 = arith.select %ge3A_439, %sub3A_488, %broadcast_in_dim3A_490 : vector<16xi1>, vector<16xi32>
        %reduce_max3A_492 = arith.constant true
        %reduce_max3A_493 = vector.broadcast %reduce_max3A_492 : i1 to vector<16xi1>
        %reduce_max3A_494 = arith.constant -2147483648 : i32
        %reduce_max3A_495 = vector.broadcast %reduce_max3A_494 : i32 to vector<16xi32>
        %reduce_max3A_496 = arith.xori %select_n3A_454, %reduce_max3A_495 : vector<16xi32>
        %reduce_max3A_497 = tpu.scan <max>, %reduce_max3A_496 masked %reduce_max3A_493 : vector<16xi32>, vector<16xi1> -> vector<16xi32>
        %reduce_max3A_498 = arith.xori %reduce_max3A_497, %reduce_max3A_495 : vector<16xi32>
        %reduce_max3A_499 = vector.extract %reduce_max3A_498[15] : i32 from vector<16xi32>
        %max3A_500 = arith.maxsi %max3A_415, %reduce_max3A_499 : i32
        %add3A_501 = arith.addi %add3A_417, %select_n3A_487 : vector<16xi32>
        %add3A_502 = arith.addi %add3A_501, %select_n3A_491 : vector<16xi32>
        scf.yield %max3A_500, %add3A_502 : i32, vector<16xi32>
      }
      %scan3A_132 = arith.constant 32 : i32
      %reduce_sum3A_133 = arith.constant true
      %reduce_sum3A_134 = vector.broadcast %reduce_sum3A_133 : i1 to vector<16xi1>
      %reduce_sum3A_135 = tpu.scan <sum>, %scan3A_131#1 masked %reduce_sum3A_134 : vector<16xi32>, vector<16xi1> -> vector<16xi32>
      %reduce_sum3A_136 = vector.extract %reduce_sum3A_135[15] : i32 from vector<16xi32>
      %broadcast_in_dim3A_137 = vector.broadcast %reduce_sum3A_136 : i32 to vector<16xi32>
      %convert_element_type3A_138 = arith.sitofp %broadcast_in_dim3A_137 : vector<16xi32> to vector<16xf32>
      %get3A_139 = arith.constant 0 : index
      %get3A_140 = tpu.vector_load %arg6[%get3A_139] {strides = array<i32>} : memref<16xi32, #tpu.memory_space<vmem>>, vector<16xi32>,
      %convert_element_type3A_141 = arith.sitofp %get3A_140 : vector<16xi32> to vector<16xf32>
      %sub3A_142 = arith.constant 1.000000e+00 : f32
      %sub3A_143 = vector.broadcast %sub3A_142 : f32 to vector<16xf32>
      %sub3A_144 = arith.subf %convert_element_type3A_141, %sub3A_143 : vector<16xf32>
      %max3A_145 = arith.constant 1.000000e+00 : f32
      %max3A_146 = vector.broadcast %max3A_145 : f32 to vector<16xf32>
      %max3A_147 = arith.maximumf %sub3A_144, %max3A_146 : vector<16xf32>
      %div3A_148 = arith.divf %convert_element_type3A_138, %max3A_147 : vector<16xf32>
      %ge3A_149 = arith.constant 2.000000e+00 : f32
      %ge3A_150 = vector.broadcast %ge3A_149 : f32 to vector<16xf32>
      %ge3A_151 = arith.cmpf oge, %convert_element_type3A_141, %ge3A_150 : vector<16xf32>
      %add3A_152 = arith.constant 1.000000e+00 : f32
      %add3A_153 = vector.broadcast %add3A_152 : f32 to vector<16xf32>
      %add3A_154 = arith.addf %convert_element_type3A_141, %add3A_153 : vector<16xf32>
      %div3A_155 = arith.divf %div3A_148, %add3A_154 : vector<16xf32>
      %jit3A_156 = arith.constant 0.000000e+00 : f32
      %broadcast_in_dim3A_157 = vector.broadcast %jit3A_156 : f32 to vector<16xf32>
      %select_n3A_158 = arith.select %ge3A_151, %div3A_155, %broadcast_in_dim3A_157 : vector<16xi1>, vector<16xf32>
      %eq3A_159 = arith.constant 0 : i32
      %eq3A_160 = vector.broadcast %eq3A_159 : i32 to vector<16xi32>
      %eq3A_161 = arith.cmpi eq, %iota3A, %eq3A_160 : vector<16xi32>
      %jit3A_162 = arith.constant 0.000000e+00 : f32
      %broadcast_in_dim3A_163 = vector.broadcast %jit3A_162 : f32 to vector<16xf32>
      %select_n3A_164 = arith.select %eq3A_161, %select_n3A_158, %broadcast_in_dim3A_163 : vector<16xi1>, vector<16xf32>
      %swap3A_165 = arith.constant 0 : index
      %swap3A_166 = tpu.vector_load %arg7[%swap3A_165] {strides = array<i32>} : memref<16xf32, #tpu.memory_space<vmem>>, vector<16xf32>,
      tpu.vector_store %arg7[%swap3A_165], %select_n3A_164 {strides = array<i32>} : memref<16xf32, #tpu.memory_space<vmem>>, vector<16xf32>,
      "tpu.region"() ({
        %run_scoped3A = tpu.sem_alloc : memref<!tpu.dma_semaphore, #tpu.memory_space<semaphore_mem>>
        %dma_start3A = arith.constant 0 : i32
        %dma_start3A_167 = tpu.memref_slice %arg4[%add3A_77, %dma_start3A] : memref<36x16xf32, #tpu.memory_space<hbm>> -> memref<1x16xf32, #tpu.memory_space<hbm>>
        %dma_start3A_168 = tpu.memref_squeeze %dma_start3A_167 : memref<1x16xf32, #tpu.memory_space<hbm>> -> memref<16xf32, #tpu.memory_space<hbm>>
        %dma_start3A_169 = arith.constant 0 : i32
        %dma_start3A_170 = tpu.memref_slice %arg4[%add3A_77, %dma_start3A_169] : memref<36x16xf32, #tpu.memory_space<hbm>> -> memref<1x16xf32, #tpu.memory_space<hbm>>
        %dma_start3A_171 = tpu.memref_squeeze %dma_start3A_170 : memref<1x16xf32, #tpu.memory_space<hbm>> -> memref<16xf32, #tpu.memory_space<hbm>>
        tpu.enqueue_dma source(%arg7 : memref<16xf32, #tpu.memory_space<vmem>>) target(%dma_start3A_171 : memref<16xf32, #tpu.memory_space<hbm>>) target_semaphore(%run_scoped3A : memref<!tpu.dma_semaphore, #tpu.memory_space<semaphore_mem>>)
        %dma_wait3A = arith.constant 0 : i32
        %dma_wait3A_172 = tpu.memref_slice %arg4[%add3A_77, %dma_wait3A] : memref<36x16xf32, #tpu.memory_space<hbm>> -> memref<1x16xf32, #tpu.memory_space<hbm>>
        %dma_wait3A_173 = tpu.memref_squeeze %dma_wait3A_172 : memref<1x16xf32, #tpu.memory_space<hbm>> -> memref<16xf32, #tpu.memory_space<hbm>>
        %dma_wait3A_174 = arith.constant 0 : i32
        %dma_wait3A_175 = tpu.memref_slice %arg4[%add3A_77, %dma_wait3A_174] : memref<36x16xf32, #tpu.memory_space<hbm>> -> memref<1x16xf32, #tpu.memory_space<hbm>>
        %dma_wait3A_176 = tpu.memref_squeeze %dma_wait3A_175 : memref<1x16xf32, #tpu.memory_space<hbm>> -> memref<16xf32, #tpu.memory_space<hbm>>
        tpu.wait_dma2 semaphore(%run_scoped3A : memref<!tpu.dma_semaphore, #tpu.memory_space<semaphore_mem>>) src(%arg7 : memref<16xf32, #tpu.memory_space<vmem>>) dst(%dma_wait3A_176 : memref<16xf32, #tpu.memory_space<hbm>>)
        tpu.yield
      }) : () -> ()
    } else {
    }
    return
  }
}

module attributes {stable_mosaic.version = 14 : i64} {
  func.func @_stats_body(%arg0: i32, %arg1: i32, %arg2: memref<1x19x256x512xf32, #tpu.memory_space<vmem>>, %arg3: memref<1x32x256xi32, #tpu.memory_space<vmem>>, %arg4: memref<1x32x16xi32, #tpu.memory_space<vmem>>, %arg5: memref<8x128xi32, #tpu.memory_space<vmem>>) attributes {dimension_semantics = [#tpu.dimension_semantics<arbitrary>, #tpu.dimension_semantics<arbitrary>], iteration_bounds = array<i64: 2, 2>, scalar_prefetch = 0 : i64, scratch_operands = 1 : i64, tpu.core_type = #tpu.core_type<tc>, window_params = [{transform_indices = @transform_0, window_bounds = array<i64: 1, 19, 256, 512>}, {transform_indices = @transform_1, window_bounds = array<i64: 1, 32, 256>}, {transform_indices = @transform_2, window_bounds = array<i64: 1, 32, 16>}]} {
    %get3A = arith.constant 0 : index
    %get3A_0 = arith.constant 0 : index
    %get3A_1 = arith.constant 0 : index
    %get3A_2 = arith.constant 0 : index
    %get3A_3 = vector.load %arg2[%get3A, %get3A_0, %get3A_1, %get3A_2] : memref<1x19x256x512xf32, #tpu.memory_space<vmem>>, vector<1x19x256x512xf32>
    %get3A_4 = vector.shape_cast %get3A_3 : vector<1x19x256x512xf32> to vector<19x256x512xf32>
    %slice3A = vector.extract_strided_slice %get3A_4 {offsets = [0, 0, 0], sizes = [1, 256, 512], strides = [1, 1, 1]} : vector<19x256x512xf32> to vector<1x256x512xf32>
    %squeeze3A = vector.shape_cast %slice3A : vector<1x256x512xf32> to vector<256x512xf32>
    %broadcast_in_dim3A = arith.constant 0 : i32
    %broadcast_in_dim3A_5 = vector.broadcast %broadcast_in_dim3A : i32 to vector<256x512xi32>
    %slice3A_6 = vector.extract_strided_slice %get3A_4 {offsets = [1, 0, 0], sizes = [1, 256, 512], strides = [1, 1, 1]} : vector<19x256x512xf32> to vector<1x256x512xf32>
    %squeeze3A_7 = vector.shape_cast %slice3A_6 : vector<1x256x512xf32> to vector<256x512xf32>
    %gt3A = arith.cmpf ogt, %squeeze3A_7, %squeeze3A : vector<256x512xf32>
    %select_n3A = arith.select %gt3A, %squeeze3A_7, %squeeze3A : vector<256x512xi1>, vector<256x512xf32>
    %jit3A = arith.constant 1 : i32
    %broadcast_in_dim3A_8 = vector.broadcast %jit3A : i32 to vector<256x512xi32>
    %select_n3A_9 = arith.select %gt3A, %broadcast_in_dim3A_8, %broadcast_in_dim3A_5 : vector<256x512xi1>, vector<256x512xi32>
    %slice3A_10 = vector.extract_strided_slice %get3A_4 {offsets = [2, 0, 0], sizes = [1, 256, 512], strides = [1, 1, 1]} : vector<19x256x512xf32> to vector<1x256x512xf32>
    %squeeze3A_11 = vector.shape_cast %slice3A_10 : vector<1x256x512xf32> to vector<256x512xf32>
    %gt3A_12 = arith.cmpf ogt, %squeeze3A_11, %select_n3A : vector<256x512xf32>
    %select_n3A_13 = arith.select %gt3A_12, %squeeze3A_11, %select_n3A : vector<256x512xi1>, vector<256x512xf32>
    %jit3A_14 = arith.constant 2 : i32
    %broadcast_in_dim3A_15 = vector.broadcast %jit3A_14 : i32 to vector<256x512xi32>
    %select_n3A_16 = arith.select %gt3A_12, %broadcast_in_dim3A_15, %select_n3A_9 : vector<256x512xi1>, vector<256x512xi32>
    %slice3A_17 = vector.extract_strided_slice %get3A_4 {offsets = [3, 0, 0], sizes = [1, 256, 512], strides = [1, 1, 1]} : vector<19x256x512xf32> to vector<1x256x512xf32>
    %squeeze3A_18 = vector.shape_cast %slice3A_17 : vector<1x256x512xf32> to vector<256x512xf32>
    %gt3A_19 = arith.cmpf ogt, %squeeze3A_18, %select_n3A_13 : vector<256x512xf32>
    %select_n3A_20 = arith.select %gt3A_19, %squeeze3A_18, %select_n3A_13 : vector<256x512xi1>, vector<256x512xf32>
    %jit3A_21 = arith.constant 3 : i32
    %broadcast_in_dim3A_22 = vector.broadcast %jit3A_21 : i32 to vector<256x512xi32>
    %select_n3A_23 = arith.select %gt3A_19, %broadcast_in_dim3A_22, %select_n3A_16 : vector<256x512xi1>, vector<256x512xi32>
    %slice3A_24 = vector.extract_strided_slice %get3A_4 {offsets = [4, 0, 0], sizes = [1, 256, 512], strides = [1, 1, 1]} : vector<19x256x512xf32> to vector<1x256x512xf32>
    %squeeze3A_25 = vector.shape_cast %slice3A_24 : vector<1x256x512xf32> to vector<256x512xf32>
    %gt3A_26 = arith.cmpf ogt, %squeeze3A_25, %select_n3A_20 : vector<256x512xf32>
    %select_n3A_27 = arith.select %gt3A_26, %squeeze3A_25, %select_n3A_20 : vector<256x512xi1>, vector<256x512xf32>
    %jit3A_28 = arith.constant 4 : i32
    %broadcast_in_dim3A_29 = vector.broadcast %jit3A_28 : i32 to vector<256x512xi32>
    %select_n3A_30 = arith.select %gt3A_26, %broadcast_in_dim3A_29, %select_n3A_23 : vector<256x512xi1>, vector<256x512xi32>
    %slice3A_31 = vector.extract_strided_slice %get3A_4 {offsets = [5, 0, 0], sizes = [1, 256, 512], strides = [1, 1, 1]} : vector<19x256x512xf32> to vector<1x256x512xf32>
    %squeeze3A_32 = vector.shape_cast %slice3A_31 : vector<1x256x512xf32> to vector<256x512xf32>
    %gt3A_33 = arith.cmpf ogt, %squeeze3A_32, %select_n3A_27 : vector<256x512xf32>
    %select_n3A_34 = arith.select %gt3A_33, %squeeze3A_32, %select_n3A_27 : vector<256x512xi1>, vector<256x512xf32>
    %jit3A_35 = arith.constant 5 : i32
    %broadcast_in_dim3A_36 = vector.broadcast %jit3A_35 : i32 to vector<256x512xi32>
    %select_n3A_37 = arith.select %gt3A_33, %broadcast_in_dim3A_36, %select_n3A_30 : vector<256x512xi1>, vector<256x512xi32>
    %slice3A_38 = vector.extract_strided_slice %get3A_4 {offsets = [6, 0, 0], sizes = [1, 256, 512], strides = [1, 1, 1]} : vector<19x256x512xf32> to vector<1x256x512xf32>
    %squeeze3A_39 = vector.shape_cast %slice3A_38 : vector<1x256x512xf32> to vector<256x512xf32>
    %gt3A_40 = arith.cmpf ogt, %squeeze3A_39, %select_n3A_34 : vector<256x512xf32>
    %select_n3A_41 = arith.select %gt3A_40, %squeeze3A_39, %select_n3A_34 : vector<256x512xi1>, vector<256x512xf32>
    %jit3A_42 = arith.constant 6 : i32
    %broadcast_in_dim3A_43 = vector.broadcast %jit3A_42 : i32 to vector<256x512xi32>
    %select_n3A_44 = arith.select %gt3A_40, %broadcast_in_dim3A_43, %select_n3A_37 : vector<256x512xi1>, vector<256x512xi32>
    %slice3A_45 = vector.extract_strided_slice %get3A_4 {offsets = [7, 0, 0], sizes = [1, 256, 512], strides = [1, 1, 1]} : vector<19x256x512xf32> to vector<1x256x512xf32>
    %squeeze3A_46 = vector.shape_cast %slice3A_45 : vector<1x256x512xf32> to vector<256x512xf32>
    %gt3A_47 = arith.cmpf ogt, %squeeze3A_46, %select_n3A_41 : vector<256x512xf32>
    %select_n3A_48 = arith.select %gt3A_47, %squeeze3A_46, %select_n3A_41 : vector<256x512xi1>, vector<256x512xf32>
    %jit3A_49 = arith.constant 7 : i32
    %broadcast_in_dim3A_50 = vector.broadcast %jit3A_49 : i32 to vector<256x512xi32>
    %select_n3A_51 = arith.select %gt3A_47, %broadcast_in_dim3A_50, %select_n3A_44 : vector<256x512xi1>, vector<256x512xi32>
    %slice3A_52 = vector.extract_strided_slice %get3A_4 {offsets = [8, 0, 0], sizes = [1, 256, 512], strides = [1, 1, 1]} : vector<19x256x512xf32> to vector<1x256x512xf32>
    %squeeze3A_53 = vector.shape_cast %slice3A_52 : vector<1x256x512xf32> to vector<256x512xf32>
    %gt3A_54 = arith.cmpf ogt, %squeeze3A_53, %select_n3A_48 : vector<256x512xf32>
    %select_n3A_55 = arith.select %gt3A_54, %squeeze3A_53, %select_n3A_48 : vector<256x512xi1>, vector<256x512xf32>
    %jit3A_56 = arith.constant 8 : i32
    %broadcast_in_dim3A_57 = vector.broadcast %jit3A_56 : i32 to vector<256x512xi32>
    %select_n3A_58 = arith.select %gt3A_54, %broadcast_in_dim3A_57, %select_n3A_51 : vector<256x512xi1>, vector<256x512xi32>
    %slice3A_59 = vector.extract_strided_slice %get3A_4 {offsets = [9, 0, 0], sizes = [1, 256, 512], strides = [1, 1, 1]} : vector<19x256x512xf32> to vector<1x256x512xf32>
    %squeeze3A_60 = vector.shape_cast %slice3A_59 : vector<1x256x512xf32> to vector<256x512xf32>
    %gt3A_61 = arith.cmpf ogt, %squeeze3A_60, %select_n3A_55 : vector<256x512xf32>
    %select_n3A_62 = arith.select %gt3A_61, %squeeze3A_60, %select_n3A_55 : vector<256x512xi1>, vector<256x512xf32>
    %jit3A_63 = arith.constant 9 : i32
    %broadcast_in_dim3A_64 = vector.broadcast %jit3A_63 : i32 to vector<256x512xi32>
    %select_n3A_65 = arith.select %gt3A_61, %broadcast_in_dim3A_64, %select_n3A_58 : vector<256x512xi1>, vector<256x512xi32>
    %slice3A_66 = vector.extract_strided_slice %get3A_4 {offsets = [10, 0, 0], sizes = [1, 256, 512], strides = [1, 1, 1]} : vector<19x256x512xf32> to vector<1x256x512xf32>
    %squeeze3A_67 = vector.shape_cast %slice3A_66 : vector<1x256x512xf32> to vector<256x512xf32>
    %gt3A_68 = arith.cmpf ogt, %squeeze3A_67, %select_n3A_62 : vector<256x512xf32>
    %select_n3A_69 = arith.select %gt3A_68, %squeeze3A_67, %select_n3A_62 : vector<256x512xi1>, vector<256x512xf32>
    %jit3A_70 = arith.constant 10 : i32
    %broadcast_in_dim3A_71 = vector.broadcast %jit3A_70 : i32 to vector<256x512xi32>
    %select_n3A_72 = arith.select %gt3A_68, %broadcast_in_dim3A_71, %select_n3A_65 : vector<256x512xi1>, vector<256x512xi32>
    %slice3A_73 = vector.extract_strided_slice %get3A_4 {offsets = [11, 0, 0], sizes = [1, 256, 512], strides = [1, 1, 1]} : vector<19x256x512xf32> to vector<1x256x512xf32>
    %squeeze3A_74 = vector.shape_cast %slice3A_73 : vector<1x256x512xf32> to vector<256x512xf32>
    %gt3A_75 = arith.cmpf ogt, %squeeze3A_74, %select_n3A_69 : vector<256x512xf32>
    %select_n3A_76 = arith.select %gt3A_75, %squeeze3A_74, %select_n3A_69 : vector<256x512xi1>, vector<256x512xf32>
    %jit3A_77 = arith.constant 11 : i32
    %broadcast_in_dim3A_78 = vector.broadcast %jit3A_77 : i32 to vector<256x512xi32>
    %select_n3A_79 = arith.select %gt3A_75, %broadcast_in_dim3A_78, %select_n3A_72 : vector<256x512xi1>, vector<256x512xi32>
    %slice3A_80 = vector.extract_strided_slice %get3A_4 {offsets = [12, 0, 0], sizes = [1, 256, 512], strides = [1, 1, 1]} : vector<19x256x512xf32> to vector<1x256x512xf32>
    %squeeze3A_81 = vector.shape_cast %slice3A_80 : vector<1x256x512xf32> to vector<256x512xf32>
    %gt3A_82 = arith.cmpf ogt, %squeeze3A_81, %select_n3A_76 : vector<256x512xf32>
    %select_n3A_83 = arith.select %gt3A_82, %squeeze3A_81, %select_n3A_76 : vector<256x512xi1>, vector<256x512xf32>
    %jit3A_84 = arith.constant 12 : i32
    %broadcast_in_dim3A_85 = vector.broadcast %jit3A_84 : i32 to vector<256x512xi32>
    %select_n3A_86 = arith.select %gt3A_82, %broadcast_in_dim3A_85, %select_n3A_79 : vector<256x512xi1>, vector<256x512xi32>
    %slice3A_87 = vector.extract_strided_slice %get3A_4 {offsets = [13, 0, 0], sizes = [1, 256, 512], strides = [1, 1, 1]} : vector<19x256x512xf32> to vector<1x256x512xf32>
    %squeeze3A_88 = vector.shape_cast %slice3A_87 : vector<1x256x512xf32> to vector<256x512xf32>
    %gt3A_89 = arith.cmpf ogt, %squeeze3A_88, %select_n3A_83 : vector<256x512xf32>
    %select_n3A_90 = arith.select %gt3A_89, %squeeze3A_88, %select_n3A_83 : vector<256x512xi1>, vector<256x512xf32>
    %jit3A_91 = arith.constant 13 : i32
    %broadcast_in_dim3A_92 = vector.broadcast %jit3A_91 : i32 to vector<256x512xi32>
    %select_n3A_93 = arith.select %gt3A_89, %broadcast_in_dim3A_92, %select_n3A_86 : vector<256x512xi1>, vector<256x512xi32>
    %slice3A_94 = vector.extract_strided_slice %get3A_4 {offsets = [14, 0, 0], sizes = [1, 256, 512], strides = [1, 1, 1]} : vector<19x256x512xf32> to vector<1x256x512xf32>
    %squeeze3A_95 = vector.shape_cast %slice3A_94 : vector<1x256x512xf32> to vector<256x512xf32>
    %gt3A_96 = arith.cmpf ogt, %squeeze3A_95, %select_n3A_90 : vector<256x512xf32>
    %select_n3A_97 = arith.select %gt3A_96, %squeeze3A_95, %select_n3A_90 : vector<256x512xi1>, vector<256x512xf32>
    %jit3A_98 = arith.constant 14 : i32
    %broadcast_in_dim3A_99 = vector.broadcast %jit3A_98 : i32 to vector<256x512xi32>
    %select_n3A_100 = arith.select %gt3A_96, %broadcast_in_dim3A_99, %select_n3A_93 : vector<256x512xi1>, vector<256x512xi32>
    %slice3A_101 = vector.extract_strided_slice %get3A_4 {offsets = [15, 0, 0], sizes = [1, 256, 512], strides = [1, 1, 1]} : vector<19x256x512xf32> to vector<1x256x512xf32>
    %squeeze3A_102 = vector.shape_cast %slice3A_101 : vector<1x256x512xf32> to vector<256x512xf32>
    %gt3A_103 = arith.cmpf ogt, %squeeze3A_102, %select_n3A_97 : vector<256x512xf32>
    %select_n3A_104 = arith.select %gt3A_103, %squeeze3A_102, %select_n3A_97 : vector<256x512xi1>, vector<256x512xf32>
    %jit3A_105 = arith.constant 15 : i32
    %broadcast_in_dim3A_106 = vector.broadcast %jit3A_105 : i32 to vector<256x512xi32>
    %select_n3A_107 = arith.select %gt3A_103, %broadcast_in_dim3A_106, %select_n3A_100 : vector<256x512xi1>, vector<256x512xi32>
    %slice3A_108 = vector.extract_strided_slice %get3A_4 {offsets = [16, 0, 0], sizes = [1, 256, 512], strides = [1, 1, 1]} : vector<19x256x512xf32> to vector<1x256x512xf32>
    %squeeze3A_109 = vector.shape_cast %slice3A_108 : vector<1x256x512xf32> to vector<256x512xf32>
    %gt3A_110 = arith.cmpf ogt, %squeeze3A_109, %select_n3A_104 : vector<256x512xf32>
    %select_n3A_111 = arith.select %gt3A_110, %squeeze3A_109, %select_n3A_104 : vector<256x512xi1>, vector<256x512xf32>
    %jit3A_112 = arith.constant 16 : i32
    %broadcast_in_dim3A_113 = vector.broadcast %jit3A_112 : i32 to vector<256x512xi32>
    %select_n3A_114 = arith.select %gt3A_110, %broadcast_in_dim3A_113, %select_n3A_107 : vector<256x512xi1>, vector<256x512xi32>
    %slice3A_115 = vector.extract_strided_slice %get3A_4 {offsets = [17, 0, 0], sizes = [1, 256, 512], strides = [1, 1, 1]} : vector<19x256x512xf32> to vector<1x256x512xf32>
    %squeeze3A_116 = vector.shape_cast %slice3A_115 : vector<1x256x512xf32> to vector<256x512xf32>
    %gt3A_117 = arith.cmpf ogt, %squeeze3A_116, %select_n3A_111 : vector<256x512xf32>
    %select_n3A_118 = arith.select %gt3A_117, %squeeze3A_116, %select_n3A_111 : vector<256x512xi1>, vector<256x512xf32>
    %jit3A_119 = arith.constant 17 : i32
    %broadcast_in_dim3A_120 = vector.broadcast %jit3A_119 : i32 to vector<256x512xi32>
    %select_n3A_121 = arith.select %gt3A_117, %broadcast_in_dim3A_120, %select_n3A_114 : vector<256x512xi1>, vector<256x512xi32>
    %slice3A_122 = vector.extract_strided_slice %get3A_4 {offsets = [18, 0, 0], sizes = [1, 256, 512], strides = [1, 1, 1]} : vector<19x256x512xf32> to vector<1x256x512xf32>
    %squeeze3A_123 = vector.shape_cast %slice3A_122 : vector<1x256x512xf32> to vector<256x512xf32>
    %gt3A_124 = arith.cmpf ogt, %squeeze3A_123, %select_n3A_118 : vector<256x512xf32>
    %jit3A_125 = arith.constant 18 : i32
    %broadcast_in_dim3A_126 = vector.broadcast %jit3A_125 : i32 to vector<256x512xi32>
    %select_n3A_127 = arith.select %gt3A_124, %broadcast_in_dim3A_126, %select_n3A_121 : vector<256x512xi1>, vector<256x512xi32>
    %iota3A = tpu.iota {dimensions = array<i32: 1>} : vector<256x512xi32>
    %convert_element_type3A = arith.sitofp %iota3A : vector<256x512xi32> to vector<256x512xf32>
    %add3A = arith.constant 1.000000e+00 : f32
    %add3A_128 = vector.broadcast %add3A : f32 to vector<256x512xf32>
    %add3A_129 = arith.addf %convert_element_type3A, %add3A_128 : vector<256x512xf32>
    %sub3A = arith.constant 5.130000e+02 : f32
    %sub3A_130 = vector.broadcast %sub3A : f32 to vector<256x512xf32>
    %sub3A_131 = arith.subf %sub3A_130, %add3A_129 : vector<256x512xf32>
    %broadcast_in_dim3A_132 = arith.constant 1.000000e+00 : f32
    %broadcast_in_dim3A_133 = vector.broadcast %broadcast_in_dim3A_132 : f32 to vector<1x256xf32>
    %eq3A = arith.constant 1 : i32
    %eq3A_134 = vector.broadcast %eq3A : i32 to vector<256x512xi32>
    %eq3A_135 = arith.cmpi eq, %select_n3A_127, %eq3A_134 : vector<256x512xi32>
    %jit3A_136 = arith.constant 1.000000e+00 : f32
    %jit3A_137 = arith.constant 0.000000e+00 : f32
    %broadcast_in_dim3A_138 = vector.broadcast %jit3A_136 : f32 to vector<256x512xf32>
    %broadcast_in_dim3A_139 = vector.broadcast %jit3A_137 : f32 to vector<256x512xf32>
    %select_n3A_140 = arith.select %eq3A_135, %broadcast_in_dim3A_138, %broadcast_in_dim3A_139 : vector<256x512xi1>, vector<256x512xf32>
    %mul3A = arith.mulf %select_n3A_140, %add3A_129 : vector<256x512xf32>
    %reduce_max3A = arith.constant dense<0xFF800000> : vector<256xf32>
    %reduce_max3A_141 = vector.multi_reduction <maximumf>, %mul3A, %reduce_max3A [1] : vector<256x512xf32> to vector<256xf32>
    %broadcast_in_dim3A_142 = vector.shape_cast %reduce_max3A_141 : vector<256xf32> to vector<256x1xf32>
    %mul3A_143 = arith.mulf %select_n3A_140, %sub3A_131 : vector<256x512xf32>
    %reduce_max3A_144 = arith.constant dense<0xFF800000> : vector<256xf32>
    %reduce_max3A_145 = vector.multi_reduction <maximumf>, %mul3A_143, %reduce_max3A_144 [1] : vector<256x512xf32> to vector<256xf32>
    %broadcast_in_dim3A_146 = vector.shape_cast %reduce_max3A_145 : vector<256xf32> to vector<256x1xf32>
    %dot_general3A = arith.constant dense<0.000000e+00> : vector<1x512xf32>
    %dot_general3A_147 = tpu.matmul %broadcast_in_dim3A_133, %select_n3A_140, %dot_general3A {dimension_numbers = #tpu.dot_dimension_numbers<[1], [0], [0], [1], [0, 0, 1, 1], [], []>, transpose_lhs_hint = false} : vector<1x256xf32>, vector<256x512xf32>, vector<1x512xf32> -> vector<1x512xf32>
    %reduce_sum3A = arith.constant dense<0.000000e+00> : vector<1xf32>
    %reduce_sum3A_148 = vector.multi_reduction <add>, %dot_general3A_147, %reduce_sum3A [1] : vector<1x512xf32> to vector<1xf32>
    %broadcast_in_dim3A_149 = vector.shape_cast %reduce_sum3A_148 : vector<1xf32> to vector<1x1xf32>
    %eq3A_150 = arith.constant 2 : i32
    %eq3A_151 = vector.broadcast %eq3A_150 : i32 to vector<256x512xi32>
    %eq3A_152 = arith.cmpi eq, %select_n3A_127, %eq3A_151 : vector<256x512xi32>
    %jit3A_153 = arith.constant 1.000000e+00 : f32
    %jit3A_154 = arith.constant 0.000000e+00 : f32
    %broadcast_in_dim3A_155 = vector.broadcast %jit3A_153 : f32 to vector<256x512xf32>
    %broadcast_in_dim3A_156 = vector.broadcast %jit3A_154 : f32 to vector<256x512xf32>
    %select_n3A_157 = arith.select %eq3A_152, %broadcast_in_dim3A_155, %broadcast_in_dim3A_156 : vector<256x512xi1>, vector<256x512xf32>
    %mul3A_158 = arith.mulf %select_n3A_157, %add3A_129 : vector<256x512xf32>
    %reduce_max3A_159 = arith.constant dense<0xFF800000> : vector<256xf32>
    %reduce_max3A_160 = vector.multi_reduction <maximumf>, %mul3A_158, %reduce_max3A_159 [1] : vector<256x512xf32> to vector<256xf32>
    %broadcast_in_dim3A_161 = vector.shape_cast %reduce_max3A_160 : vector<256xf32> to vector<256x1xf32>
    %mul3A_162 = arith.mulf %select_n3A_157, %sub3A_131 : vector<256x512xf32>
    %reduce_max3A_163 = arith.constant dense<0xFF800000> : vector<256xf32>
    %reduce_max3A_164 = vector.multi_reduction <maximumf>, %mul3A_162, %reduce_max3A_163 [1] : vector<256x512xf32> to vector<256xf32>
    %broadcast_in_dim3A_165 = vector.shape_cast %reduce_max3A_164 : vector<256xf32> to vector<256x1xf32>
    %dot_general3A_166 = arith.constant dense<0.000000e+00> : vector<1x512xf32>
    %dot_general3A_167 = tpu.matmul %broadcast_in_dim3A_133, %select_n3A_157, %dot_general3A_166 {dimension_numbers = #tpu.dot_dimension_numbers<[1], [0], [0], [1], [0, 0, 1, 1], [], []>, transpose_lhs_hint = false} : vector<1x256xf32>, vector<256x512xf32>, vector<1x512xf32> -> vector<1x512xf32>
    %reduce_sum3A_168 = arith.constant dense<0.000000e+00> : vector<1xf32>
    %reduce_sum3A_169 = vector.multi_reduction <add>, %dot_general3A_167, %reduce_sum3A_168 [1] : vector<1x512xf32> to vector<1xf32>
    %broadcast_in_dim3A_170 = vector.shape_cast %reduce_sum3A_169 : vector<1xf32> to vector<1x1xf32>
    %eq3A_171 = arith.constant 3 : i32
    %eq3A_172 = vector.broadcast %eq3A_171 : i32 to vector<256x512xi32>
    %eq3A_173 = arith.cmpi eq, %select_n3A_127, %eq3A_172 : vector<256x512xi32>
    %jit3A_174 = arith.constant 1.000000e+00 : f32
    %jit3A_175 = arith.constant 0.000000e+00 : f32
    %broadcast_in_dim3A_176 = vector.broadcast %jit3A_174 : f32 to vector<256x512xf32>
    %broadcast_in_dim3A_177 = vector.broadcast %jit3A_175 : f32 to vector<256x512xf32>
    %select_n3A_178 = arith.select %eq3A_173, %broadcast_in_dim3A_176, %broadcast_in_dim3A_177 : vector<256x512xi1>, vector<256x512xf32>
    %mul3A_179 = arith.mulf %select_n3A_178, %add3A_129 : vector<256x512xf32>
    %reduce_max3A_180 = arith.constant dense<0xFF800000> : vector<256xf32>
    %reduce_max3A_181 = vector.multi_reduction <maximumf>, %mul3A_179, %reduce_max3A_180 [1] : vector<256x512xf32> to vector<256xf32>
    %broadcast_in_dim3A_182 = vector.shape_cast %reduce_max3A_181 : vector<256xf32> to vector<256x1xf32>
    %mul3A_183 = arith.mulf %select_n3A_178, %sub3A_131 : vector<256x512xf32>
    %reduce_max3A_184 = arith.constant dense<0xFF800000> : vector<256xf32>
    %reduce_max3A_185 = vector.multi_reduction <maximumf>, %mul3A_183, %reduce_max3A_184 [1] : vector<256x512xf32> to vector<256xf32>
    %broadcast_in_dim3A_186 = vector.shape_cast %reduce_max3A_185 : vector<256xf32> to vector<256x1xf32>
    %dot_general3A_187 = arith.constant dense<0.000000e+00> : vector<1x512xf32>
    %dot_general3A_188 = tpu.matmul %broadcast_in_dim3A_133, %select_n3A_178, %dot_general3A_187 {dimension_numbers = #tpu.dot_dimension_numbers<[1], [0], [0], [1], [0, 0, 1, 1], [], []>, transpose_lhs_hint = false} : vector<1x256xf32>, vector<256x512xf32>, vector<1x512xf32> -> vector<1x512xf32>
    %reduce_sum3A_189 = arith.constant dense<0.000000e+00> : vector<1xf32>
    %reduce_sum3A_190 = vector.multi_reduction <add>, %dot_general3A_188, %reduce_sum3A_189 [1] : vector<1x512xf32> to vector<1xf32>
    %broadcast_in_dim3A_191 = vector.shape_cast %reduce_sum3A_190 : vector<1xf32> to vector<1x1xf32>
    %eq3A_192 = arith.constant 4 : i32
    %eq3A_193 = vector.broadcast %eq3A_192 : i32 to vector<256x512xi32>
    %eq3A_194 = arith.cmpi eq, %select_n3A_127, %eq3A_193 : vector<256x512xi32>
    %jit3A_195 = arith.constant 1.000000e+00 : f32
    %jit3A_196 = arith.constant 0.000000e+00 : f32
    %broadcast_in_dim3A_197 = vector.broadcast %jit3A_195 : f32 to vector<256x512xf32>
    %broadcast_in_dim3A_198 = vector.broadcast %jit3A_196 : f32 to vector<256x512xf32>
    %select_n3A_199 = arith.select %eq3A_194, %broadcast_in_dim3A_197, %broadcast_in_dim3A_198 : vector<256x512xi1>, vector<256x512xf32>
    %mul3A_200 = arith.mulf %select_n3A_199, %add3A_129 : vector<256x512xf32>
    %reduce_max3A_201 = arith.constant dense<0xFF800000> : vector<256xf32>
    %reduce_max3A_202 = vector.multi_reduction <maximumf>, %mul3A_200, %reduce_max3A_201 [1] : vector<256x512xf32> to vector<256xf32>
    %broadcast_in_dim3A_203 = vector.shape_cast %reduce_max3A_202 : vector<256xf32> to vector<256x1xf32>
    %mul3A_204 = arith.mulf %select_n3A_199, %sub3A_131 : vector<256x512xf32>
    %reduce_max3A_205 = arith.constant dense<0xFF800000> : vector<256xf32>
    %reduce_max3A_206 = vector.multi_reduction <maximumf>, %mul3A_204, %reduce_max3A_205 [1] : vector<256x512xf32> to vector<256xf32>
    %broadcast_in_dim3A_207 = vector.shape_cast %reduce_max3A_206 : vector<256xf32> to vector<256x1xf32>
    %dot_general3A_208 = arith.constant dense<0.000000e+00> : vector<1x512xf32>
    %dot_general3A_209 = tpu.matmul %broadcast_in_dim3A_133, %select_n3A_199, %dot_general3A_208 {dimension_numbers = #tpu.dot_dimension_numbers<[1], [0], [0], [1], [0, 0, 1, 1], [], []>, transpose_lhs_hint = false} : vector<1x256xf32>, vector<256x512xf32>, vector<1x512xf32> -> vector<1x512xf32>
    %reduce_sum3A_210 = arith.constant dense<0.000000e+00> : vector<1xf32>
    %reduce_sum3A_211 = vector.multi_reduction <add>, %dot_general3A_209, %reduce_sum3A_210 [1] : vector<1x512xf32> to vector<1xf32>
    %broadcast_in_dim3A_212 = vector.shape_cast %reduce_sum3A_211 : vector<1xf32> to vector<1x1xf32>
    %eq3A_213 = arith.constant 5 : i32
    %eq3A_214 = vector.broadcast %eq3A_213 : i32 to vector<256x512xi32>
    %eq3A_215 = arith.cmpi eq, %select_n3A_127, %eq3A_214 : vector<256x512xi32>
    %jit3A_216 = arith.constant 1.000000e+00 : f32
    %jit3A_217 = arith.constant 0.000000e+00 : f32
    %broadcast_in_dim3A_218 = vector.broadcast %jit3A_216 : f32 to vector<256x512xf32>
    %broadcast_in_dim3A_219 = vector.broadcast %jit3A_217 : f32 to vector<256x512xf32>
    %select_n3A_220 = arith.select %eq3A_215, %broadcast_in_dim3A_218, %broadcast_in_dim3A_219 : vector<256x512xi1>, vector<256x512xf32>
    %mul3A_221 = arith.mulf %select_n3A_220, %add3A_129 : vector<256x512xf32>
    %reduce_max3A_222 = arith.constant dense<0xFF800000> : vector<256xf32>
    %reduce_max3A_223 = vector.multi_reduction <maximumf>, %mul3A_221, %reduce_max3A_222 [1] : vector<256x512xf32> to vector<256xf32>
    %broadcast_in_dim3A_224 = vector.shape_cast %reduce_max3A_223 : vector<256xf32> to vector<256x1xf32>
    %mul3A_225 = arith.mulf %select_n3A_220, %sub3A_131 : vector<256x512xf32>
    %reduce_max3A_226 = arith.constant dense<0xFF800000> : vector<256xf32>
    %reduce_max3A_227 = vector.multi_reduction <maximumf>, %mul3A_225, %reduce_max3A_226 [1] : vector<256x512xf32> to vector<256xf32>
    %broadcast_in_dim3A_228 = vector.shape_cast %reduce_max3A_227 : vector<256xf32> to vector<256x1xf32>
    %dot_general3A_229 = arith.constant dense<0.000000e+00> : vector<1x512xf32>
    %dot_general3A_230 = tpu.matmul %broadcast_in_dim3A_133, %select_n3A_220, %dot_general3A_229 {dimension_numbers = #tpu.dot_dimension_numbers<[1], [0], [0], [1], [0, 0, 1, 1], [], []>, transpose_lhs_hint = false} : vector<1x256xf32>, vector<256x512xf32>, vector<1x512xf32> -> vector<1x512xf32>
    %reduce_sum3A_231 = arith.constant dense<0.000000e+00> : vector<1xf32>
    %reduce_sum3A_232 = vector.multi_reduction <add>, %dot_general3A_230, %reduce_sum3A_231 [1] : vector<1x512xf32> to vector<1xf32>
    %broadcast_in_dim3A_233 = vector.shape_cast %reduce_sum3A_232 : vector<1xf32> to vector<1x1xf32>
    %eq3A_234 = arith.constant 6 : i32
    %eq3A_235 = vector.broadcast %eq3A_234 : i32 to vector<256x512xi32>
    %eq3A_236 = arith.cmpi eq, %select_n3A_127, %eq3A_235 : vector<256x512xi32>
    %jit3A_237 = arith.constant 1.000000e+00 : f32
    %jit3A_238 = arith.constant 0.000000e+00 : f32
    %broadcast_in_dim3A_239 = vector.broadcast %jit3A_237 : f32 to vector<256x512xf32>
    %broadcast_in_dim3A_240 = vector.broadcast %jit3A_238 : f32 to vector<256x512xf32>
    %select_n3A_241 = arith.select %eq3A_236, %broadcast_in_dim3A_239, %broadcast_in_dim3A_240 : vector<256x512xi1>, vector<256x512xf32>
    %mul3A_242 = arith.mulf %select_n3A_241, %add3A_129 : vector<256x512xf32>
    %reduce_max3A_243 = arith.constant dense<0xFF800000> : vector<256xf32>
    %reduce_max3A_244 = vector.multi_reduction <maximumf>, %mul3A_242, %reduce_max3A_243 [1] : vector<256x512xf32> to vector<256xf32>
    %broadcast_in_dim3A_245 = vector.shape_cast %reduce_max3A_244 : vector<256xf32> to vector<256x1xf32>
    %mul3A_246 = arith.mulf %select_n3A_241, %sub3A_131 : vector<256x512xf32>
    %reduce_max3A_247 = arith.constant dense<0xFF800000> : vector<256xf32>
    %reduce_max3A_248 = vector.multi_reduction <maximumf>, %mul3A_246, %reduce_max3A_247 [1] : vector<256x512xf32> to vector<256xf32>
    %broadcast_in_dim3A_249 = vector.shape_cast %reduce_max3A_248 : vector<256xf32> to vector<256x1xf32>
    %dot_general3A_250 = arith.constant dense<0.000000e+00> : vector<1x512xf32>
    %dot_general3A_251 = tpu.matmul %broadcast_in_dim3A_133, %select_n3A_241, %dot_general3A_250 {dimension_numbers = #tpu.dot_dimension_numbers<[1], [0], [0], [1], [0, 0, 1, 1], [], []>, transpose_lhs_hint = false} : vector<1x256xf32>, vector<256x512xf32>, vector<1x512xf32> -> vector<1x512xf32>
    %reduce_sum3A_252 = arith.constant dense<0.000000e+00> : vector<1xf32>
    %reduce_sum3A_253 = vector.multi_reduction <add>, %dot_general3A_251, %reduce_sum3A_252 [1] : vector<1x512xf32> to vector<1xf32>
    %broadcast_in_dim3A_254 = vector.shape_cast %reduce_sum3A_253 : vector<1xf32> to vector<1x1xf32>
    %eq3A_255 = arith.constant 7 : i32
    %eq3A_256 = vector.broadcast %eq3A_255 : i32 to vector<256x512xi32>
    %eq3A_257 = arith.cmpi eq, %select_n3A_127, %eq3A_256 : vector<256x512xi32>
    %jit3A_258 = arith.constant 1.000000e+00 : f32
    %jit3A_259 = arith.constant 0.000000e+00 : f32
    %broadcast_in_dim3A_260 = vector.broadcast %jit3A_258 : f32 to vector<256x512xf32>
    %broadcast_in_dim3A_261 = vector.broadcast %jit3A_259 : f32 to vector<256x512xf32>
    %select_n3A_262 = arith.select %eq3A_257, %broadcast_in_dim3A_260, %broadcast_in_dim3A_261 : vector<256x512xi1>, vector<256x512xf32>
    %mul3A_263 = arith.mulf %select_n3A_262, %add3A_129 : vector<256x512xf32>
    %reduce_max3A_264 = arith.constant dense<0xFF800000> : vector<256xf32>
    %reduce_max3A_265 = vector.multi_reduction <maximumf>, %mul3A_263, %reduce_max3A_264 [1] : vector<256x512xf32> to vector<256xf32>
    %broadcast_in_dim3A_266 = vector.shape_cast %reduce_max3A_265 : vector<256xf32> to vector<256x1xf32>
    %mul3A_267 = arith.mulf %select_n3A_262, %sub3A_131 : vector<256x512xf32>
    %reduce_max3A_268 = arith.constant dense<0xFF800000> : vector<256xf32>
    %reduce_max3A_269 = vector.multi_reduction <maximumf>, %mul3A_267, %reduce_max3A_268 [1] : vector<256x512xf32> to vector<256xf32>
    %broadcast_in_dim3A_270 = vector.shape_cast %reduce_max3A_269 : vector<256xf32> to vector<256x1xf32>
    %dot_general3A_271 = arith.constant dense<0.000000e+00> : vector<1x512xf32>
    %dot_general3A_272 = tpu.matmul %broadcast_in_dim3A_133, %select_n3A_262, %dot_general3A_271 {dimension_numbers = #tpu.dot_dimension_numbers<[1], [0], [0], [1], [0, 0, 1, 1], [], []>, transpose_lhs_hint = false} : vector<1x256xf32>, vector<256x512xf32>, vector<1x512xf32> -> vector<1x512xf32>
    %reduce_sum3A_273 = arith.constant dense<0.000000e+00> : vector<1xf32>
    %reduce_sum3A_274 = vector.multi_reduction <add>, %dot_general3A_272, %reduce_sum3A_273 [1] : vector<1x512xf32> to vector<1xf32>
    %broadcast_in_dim3A_275 = vector.shape_cast %reduce_sum3A_274 : vector<1xf32> to vector<1x1xf32>
    %eq3A_276 = arith.constant 8 : i32
    %eq3A_277 = vector.broadcast %eq3A_276 : i32 to vector<256x512xi32>
    %eq3A_278 = arith.cmpi eq, %select_n3A_127, %eq3A_277 : vector<256x512xi32>
    %jit3A_279 = arith.constant 1.000000e+00 : f32
    %jit3A_280 = arith.constant 0.000000e+00 : f32
    %broadcast_in_dim3A_281 = vector.broadcast %jit3A_279 : f32 to vector<256x512xf32>
    %broadcast_in_dim3A_282 = vector.broadcast %jit3A_280 : f32 to vector<256x512xf32>
    %select_n3A_283 = arith.select %eq3A_278, %broadcast_in_dim3A_281, %broadcast_in_dim3A_282 : vector<256x512xi1>, vector<256x512xf32>
    %mul3A_284 = arith.mulf %select_n3A_283, %add3A_129 : vector<256x512xf32>
    %reduce_max3A_285 = arith.constant dense<0xFF800000> : vector<256xf32>
    %reduce_max3A_286 = vector.multi_reduction <maximumf>, %mul3A_284, %reduce_max3A_285 [1] : vector<256x512xf32> to vector<256xf32>
    %broadcast_in_dim3A_287 = vector.shape_cast %reduce_max3A_286 : vector<256xf32> to vector<256x1xf32>
    %mul3A_288 = arith.mulf %select_n3A_283, %sub3A_131 : vector<256x512xf32>
    %reduce_max3A_289 = arith.constant dense<0xFF800000> : vector<256xf32>
    %reduce_max3A_290 = vector.multi_reduction <maximumf>, %mul3A_288, %reduce_max3A_289 [1] : vector<256x512xf32> to vector<256xf32>
    %broadcast_in_dim3A_291 = vector.shape_cast %reduce_max3A_290 : vector<256xf32> to vector<256x1xf32>
    %dot_general3A_292 = arith.constant dense<0.000000e+00> : vector<1x512xf32>
    %dot_general3A_293 = tpu.matmul %broadcast_in_dim3A_133, %select_n3A_283, %dot_general3A_292 {dimension_numbers = #tpu.dot_dimension_numbers<[1], [0], [0], [1], [0, 0, 1, 1], [], []>, transpose_lhs_hint = false} : vector<1x256xf32>, vector<256x512xf32>, vector<1x512xf32> -> vector<1x512xf32>
    %reduce_sum3A_294 = arith.constant dense<0.000000e+00> : vector<1xf32>
    %reduce_sum3A_295 = vector.multi_reduction <add>, %dot_general3A_293, %reduce_sum3A_294 [1] : vector<1x512xf32> to vector<1xf32>
    %broadcast_in_dim3A_296 = vector.shape_cast %reduce_sum3A_295 : vector<1xf32> to vector<1x1xf32>
    %eq3A_297 = arith.constant 9 : i32
    %eq3A_298 = vector.broadcast %eq3A_297 : i32 to vector<256x512xi32>
    %eq3A_299 = arith.cmpi eq, %select_n3A_127, %eq3A_298 : vector<256x512xi32>
    %jit3A_300 = arith.constant 1.000000e+00 : f32
    %jit3A_301 = arith.constant 0.000000e+00 : f32
    %broadcast_in_dim3A_302 = vector.broadcast %jit3A_300 : f32 to vector<256x512xf32>
    %broadcast_in_dim3A_303 = vector.broadcast %jit3A_301 : f32 to vector<256x512xf32>
    %select_n3A_304 = arith.select %eq3A_299, %broadcast_in_dim3A_302, %broadcast_in_dim3A_303 : vector<256x512xi1>, vector<256x512xf32>
    %mul3A_305 = arith.mulf %select_n3A_304, %add3A_129 : vector<256x512xf32>
    %reduce_max3A_306 = arith.constant dense<0xFF800000> : vector<256xf32>
    %reduce_max3A_307 = vector.multi_reduction <maximumf>, %mul3A_305, %reduce_max3A_306 [1] : vector<256x512xf32> to vector<256xf32>
    %broadcast_in_dim3A_308 = vector.shape_cast %reduce_max3A_307 : vector<256xf32> to vector<256x1xf32>
    %mul3A_309 = arith.mulf %select_n3A_304, %sub3A_131 : vector<256x512xf32>
    %reduce_max3A_310 = arith.constant dense<0xFF800000> : vector<256xf32>
    %reduce_max3A_311 = vector.multi_reduction <maximumf>, %mul3A_309, %reduce_max3A_310 [1] : vector<256x512xf32> to vector<256xf32>
    %broadcast_in_dim3A_312 = vector.shape_cast %reduce_max3A_311 : vector<256xf32> to vector<256x1xf32>
    %dot_general3A_313 = arith.constant dense<0.000000e+00> : vector<1x512xf32>
    %dot_general3A_314 = tpu.matmul %broadcast_in_dim3A_133, %select_n3A_304, %dot_general3A_313 {dimension_numbers = #tpu.dot_dimension_numbers<[1], [0], [0], [1], [0, 0, 1, 1], [], []>, transpose_lhs_hint = false} : vector<1x256xf32>, vector<256x512xf32>, vector<1x512xf32> -> vector<1x512xf32>
    %reduce_sum3A_315 = arith.constant dense<0.000000e+00> : vector<1xf32>
    %reduce_sum3A_316 = vector.multi_reduction <add>, %dot_general3A_314, %reduce_sum3A_315 [1] : vector<1x512xf32> to vector<1xf32>
    %broadcast_in_dim3A_317 = vector.shape_cast %reduce_sum3A_316 : vector<1xf32> to vector<1x1xf32>
    %eq3A_318 = arith.constant 10 : i32
    %eq3A_319 = vector.broadcast %eq3A_318 : i32 to vector<256x512xi32>
    %eq3A_320 = arith.cmpi eq, %select_n3A_127, %eq3A_319 : vector<256x512xi32>
    %jit3A_321 = arith.constant 1.000000e+00 : f32
    %jit3A_322 = arith.constant 0.000000e+00 : f32
    %broadcast_in_dim3A_323 = vector.broadcast %jit3A_321 : f32 to vector<256x512xf32>
    %broadcast_in_dim3A_324 = vector.broadcast %jit3A_322 : f32 to vector<256x512xf32>
    %select_n3A_325 = arith.select %eq3A_320, %broadcast_in_dim3A_323, %broadcast_in_dim3A_324 : vector<256x512xi1>, vector<256x512xf32>
    %mul3A_326 = arith.mulf %select_n3A_325, %add3A_129 : vector<256x512xf32>
    %reduce_max3A_327 = arith.constant dense<0xFF800000> : vector<256xf32>
    %reduce_max3A_328 = vector.multi_reduction <maximumf>, %mul3A_326, %reduce_max3A_327 [1] : vector<256x512xf32> to vector<256xf32>
    %broadcast_in_dim3A_329 = vector.shape_cast %reduce_max3A_328 : vector<256xf32> to vector<256x1xf32>
    %mul3A_330 = arith.mulf %select_n3A_325, %sub3A_131 : vector<256x512xf32>
    %reduce_max3A_331 = arith.constant dense<0xFF800000> : vector<256xf32>
    %reduce_max3A_332 = vector.multi_reduction <maximumf>, %mul3A_330, %reduce_max3A_331 [1] : vector<256x512xf32> to vector<256xf32>
    %broadcast_in_dim3A_333 = vector.shape_cast %reduce_max3A_332 : vector<256xf32> to vector<256x1xf32>
    %dot_general3A_334 = arith.constant dense<0.000000e+00> : vector<1x512xf32>
    %dot_general3A_335 = tpu.matmul %broadcast_in_dim3A_133, %select_n3A_325, %dot_general3A_334 {dimension_numbers = #tpu.dot_dimension_numbers<[1], [0], [0], [1], [0, 0, 1, 1], [], []>, transpose_lhs_hint = false} : vector<1x256xf32>, vector<256x512xf32>, vector<1x512xf32> -> vector<1x512xf32>
    %reduce_sum3A_336 = arith.constant dense<0.000000e+00> : vector<1xf32>
    %reduce_sum3A_337 = vector.multi_reduction <add>, %dot_general3A_335, %reduce_sum3A_336 [1] : vector<1x512xf32> to vector<1xf32>
    %broadcast_in_dim3A_338 = vector.shape_cast %reduce_sum3A_337 : vector<1xf32> to vector<1x1xf32>
    %eq3A_339 = arith.constant 11 : i32
    %eq3A_340 = vector.broadcast %eq3A_339 : i32 to vector<256x512xi32>
    %eq3A_341 = arith.cmpi eq, %select_n3A_127, %eq3A_340 : vector<256x512xi32>
    %jit3A_342 = arith.constant 1.000000e+00 : f32
    %jit3A_343 = arith.constant 0.000000e+00 : f32
    %broadcast_in_dim3A_344 = vector.broadcast %jit3A_342 : f32 to vector<256x512xf32>
    %broadcast_in_dim3A_345 = vector.broadcast %jit3A_343 : f32 to vector<256x512xf32>
    %select_n3A_346 = arith.select %eq3A_341, %broadcast_in_dim3A_344, %broadcast_in_dim3A_345 : vector<256x512xi1>, vector<256x512xf32>
    %mul3A_347 = arith.mulf %select_n3A_346, %add3A_129 : vector<256x512xf32>
    %reduce_max3A_348 = arith.constant dense<0xFF800000> : vector<256xf32>
    %reduce_max3A_349 = vector.multi_reduction <maximumf>, %mul3A_347, %reduce_max3A_348 [1] : vector<256x512xf32> to vector<256xf32>
    %broadcast_in_dim3A_350 = vector.shape_cast %reduce_max3A_349 : vector<256xf32> to vector<256x1xf32>
    %mul3A_351 = arith.mulf %select_n3A_346, %sub3A_131 : vector<256x512xf32>
    %reduce_max3A_352 = arith.constant dense<0xFF800000> : vector<256xf32>
    %reduce_max3A_353 = vector.multi_reduction <maximumf>, %mul3A_351, %reduce_max3A_352 [1] : vector<256x512xf32> to vector<256xf32>
    %broadcast_in_dim3A_354 = vector.shape_cast %reduce_max3A_353 : vector<256xf32> to vector<256x1xf32>
    %dot_general3A_355 = arith.constant dense<0.000000e+00> : vector<1x512xf32>
    %dot_general3A_356 = tpu.matmul %broadcast_in_dim3A_133, %select_n3A_346, %dot_general3A_355 {dimension_numbers = #tpu.dot_dimension_numbers<[1], [0], [0], [1], [0, 0, 1, 1], [], []>, transpose_lhs_hint = false} : vector<1x256xf32>, vector<256x512xf32>, vector<1x512xf32> -> vector<1x512xf32>
    %reduce_sum3A_357 = arith.constant dense<0.000000e+00> : vector<1xf32>
    %reduce_sum3A_358 = vector.multi_reduction <add>, %dot_general3A_356, %reduce_sum3A_357 [1] : vector<1x512xf32> to vector<1xf32>
    %broadcast_in_dim3A_359 = vector.shape_cast %reduce_sum3A_358 : vector<1xf32> to vector<1x1xf32>
    %eq3A_360 = arith.constant 12 : i32
    %eq3A_361 = vector.broadcast %eq3A_360 : i32 to vector<256x512xi32>
    %eq3A_362 = arith.cmpi eq, %select_n3A_127, %eq3A_361 : vector<256x512xi32>
    %jit3A_363 = arith.constant 1.000000e+00 : f32
    %jit3A_364 = arith.constant 0.000000e+00 : f32
    %broadcast_in_dim3A_365 = vector.broadcast %jit3A_363 : f32 to vector<256x512xf32>
    %broadcast_in_dim3A_366 = vector.broadcast %jit3A_364 : f32 to vector<256x512xf32>
    %select_n3A_367 = arith.select %eq3A_362, %broadcast_in_dim3A_365, %broadcast_in_dim3A_366 : vector<256x512xi1>, vector<256x512xf32>
    %mul3A_368 = arith.mulf %select_n3A_367, %add3A_129 : vector<256x512xf32>
    %reduce_max3A_369 = arith.constant dense<0xFF800000> : vector<256xf32>
    %reduce_max3A_370 = vector.multi_reduction <maximumf>, %mul3A_368, %reduce_max3A_369 [1] : vector<256x512xf32> to vector<256xf32>
    %broadcast_in_dim3A_371 = vector.shape_cast %reduce_max3A_370 : vector<256xf32> to vector<256x1xf32>
    %mul3A_372 = arith.mulf %select_n3A_367, %sub3A_131 : vector<256x512xf32>
    %reduce_max3A_373 = arith.constant dense<0xFF800000> : vector<256xf32>
    %reduce_max3A_374 = vector.multi_reduction <maximumf>, %mul3A_372, %reduce_max3A_373 [1] : vector<256x512xf32> to vector<256xf32>
    %broadcast_in_dim3A_375 = vector.shape_cast %reduce_max3A_374 : vector<256xf32> to vector<256x1xf32>
    %dot_general3A_376 = arith.constant dense<0.000000e+00> : vector<1x512xf32>
    %dot_general3A_377 = tpu.matmul %broadcast_in_dim3A_133, %select_n3A_367, %dot_general3A_376 {dimension_numbers = #tpu.dot_dimension_numbers<[1], [0], [0], [1], [0, 0, 1, 1], [], []>, transpose_lhs_hint = false} : vector<1x256xf32>, vector<256x512xf32>, vector<1x512xf32> -> vector<1x512xf32>
    %reduce_sum3A_378 = arith.constant dense<0.000000e+00> : vector<1xf32>
    %reduce_sum3A_379 = vector.multi_reduction <add>, %dot_general3A_377, %reduce_sum3A_378 [1] : vector<1x512xf32> to vector<1xf32>
    %broadcast_in_dim3A_380 = vector.shape_cast %reduce_sum3A_379 : vector<1xf32> to vector<1x1xf32>
    %eq3A_381 = arith.constant 13 : i32
    %eq3A_382 = vector.broadcast %eq3A_381 : i32 to vector<256x512xi32>
    %eq3A_383 = arith.cmpi eq, %select_n3A_127, %eq3A_382 : vector<256x512xi32>
    %jit3A_384 = arith.constant 1.000000e+00 : f32
    %jit3A_385 = arith.constant 0.000000e+00 : f32
    %broadcast_in_dim3A_386 = vector.broadcast %jit3A_384 : f32 to vector<256x512xf32>
    %broadcast_in_dim3A_387 = vector.broadcast %jit3A_385 : f32 to vector<256x512xf32>
    %select_n3A_388 = arith.select %eq3A_383, %broadcast_in_dim3A_386, %broadcast_in_dim3A_387 : vector<256x512xi1>, vector<256x512xf32>
    %mul3A_389 = arith.mulf %select_n3A_388, %add3A_129 : vector<256x512xf32>
    %reduce_max3A_390 = arith.constant dense<0xFF800000> : vector<256xf32>
    %reduce_max3A_391 = vector.multi_reduction <maximumf>, %mul3A_389, %reduce_max3A_390 [1] : vector<256x512xf32> to vector<256xf32>
    %broadcast_in_dim3A_392 = vector.shape_cast %reduce_max3A_391 : vector<256xf32> to vector<256x1xf32>
    %mul3A_393 = arith.mulf %select_n3A_388, %sub3A_131 : vector<256x512xf32>
    %reduce_max3A_394 = arith.constant dense<0xFF800000> : vector<256xf32>
    %reduce_max3A_395 = vector.multi_reduction <maximumf>, %mul3A_393, %reduce_max3A_394 [1] : vector<256x512xf32> to vector<256xf32>
    %broadcast_in_dim3A_396 = vector.shape_cast %reduce_max3A_395 : vector<256xf32> to vector<256x1xf32>
    %dot_general3A_397 = arith.constant dense<0.000000e+00> : vector<1x512xf32>
    %dot_general3A_398 = tpu.matmul %broadcast_in_dim3A_133, %select_n3A_388, %dot_general3A_397 {dimension_numbers = #tpu.dot_dimension_numbers<[1], [0], [0], [1], [0, 0, 1, 1], [], []>, transpose_lhs_hint = false} : vector<1x256xf32>, vector<256x512xf32>, vector<1x512xf32> -> vector<1x512xf32>
    %reduce_sum3A_399 = arith.constant dense<0.000000e+00> : vector<1xf32>
    %reduce_sum3A_400 = vector.multi_reduction <add>, %dot_general3A_398, %reduce_sum3A_399 [1] : vector<1x512xf32> to vector<1xf32>
    %broadcast_in_dim3A_401 = vector.shape_cast %reduce_sum3A_400 : vector<1xf32> to vector<1x1xf32>
    %eq3A_402 = arith.constant 14 : i32
    %eq3A_403 = vector.broadcast %eq3A_402 : i32 to vector<256x512xi32>
    %eq3A_404 = arith.cmpi eq, %select_n3A_127, %eq3A_403 : vector<256x512xi32>
    %jit3A_405 = arith.constant 1.000000e+00 : f32
    %jit3A_406 = arith.constant 0.000000e+00 : f32
    %broadcast_in_dim3A_407 = vector.broadcast %jit3A_405 : f32 to vector<256x512xf32>
    %broadcast_in_dim3A_408 = vector.broadcast %jit3A_406 : f32 to vector<256x512xf32>
    %select_n3A_409 = arith.select %eq3A_404, %broadcast_in_dim3A_407, %broadcast_in_dim3A_408 : vector<256x512xi1>, vector<256x512xf32>
    %mul3A_410 = arith.mulf %select_n3A_409, %add3A_129 : vector<256x512xf32>
    %reduce_max3A_411 = arith.constant dense<0xFF800000> : vector<256xf32>
    %reduce_max3A_412 = vector.multi_reduction <maximumf>, %mul3A_410, %reduce_max3A_411 [1] : vector<256x512xf32> to vector<256xf32>
    %broadcast_in_dim3A_413 = vector.shape_cast %reduce_max3A_412 : vector<256xf32> to vector<256x1xf32>
    %mul3A_414 = arith.mulf %select_n3A_409, %sub3A_131 : vector<256x512xf32>
    %reduce_max3A_415 = arith.constant dense<0xFF800000> : vector<256xf32>
    %reduce_max3A_416 = vector.multi_reduction <maximumf>, %mul3A_414, %reduce_max3A_415 [1] : vector<256x512xf32> to vector<256xf32>
    %broadcast_in_dim3A_417 = vector.shape_cast %reduce_max3A_416 : vector<256xf32> to vector<256x1xf32>
    %dot_general3A_418 = arith.constant dense<0.000000e+00> : vector<1x512xf32>
    %dot_general3A_419 = tpu.matmul %broadcast_in_dim3A_133, %select_n3A_409, %dot_general3A_418 {dimension_numbers = #tpu.dot_dimension_numbers<[1], [0], [0], [1], [0, 0, 1, 1], [], []>, transpose_lhs_hint = false} : vector<1x256xf32>, vector<256x512xf32>, vector<1x512xf32> -> vector<1x512xf32>
    %reduce_sum3A_420 = arith.constant dense<0.000000e+00> : vector<1xf32>
    %reduce_sum3A_421 = vector.multi_reduction <add>, %dot_general3A_419, %reduce_sum3A_420 [1] : vector<1x512xf32> to vector<1xf32>
    %broadcast_in_dim3A_422 = vector.shape_cast %reduce_sum3A_421 : vector<1xf32> to vector<1x1xf32>
    %eq3A_423 = arith.constant 15 : i32
    %eq3A_424 = vector.broadcast %eq3A_423 : i32 to vector<256x512xi32>
    %eq3A_425 = arith.cmpi eq, %select_n3A_127, %eq3A_424 : vector<256x512xi32>
    %jit3A_426 = arith.constant 1.000000e+00 : f32
    %jit3A_427 = arith.constant 0.000000e+00 : f32
    %broadcast_in_dim3A_428 = vector.broadcast %jit3A_426 : f32 to vector<256x512xf32>
    %broadcast_in_dim3A_429 = vector.broadcast %jit3A_427 : f32 to vector<256x512xf32>
    %select_n3A_430 = arith.select %eq3A_425, %broadcast_in_dim3A_428, %broadcast_in_dim3A_429 : vector<256x512xi1>, vector<256x512xf32>
    %mul3A_431 = arith.mulf %select_n3A_430, %add3A_129 : vector<256x512xf32>
    %reduce_max3A_432 = arith.constant dense<0xFF800000> : vector<256xf32>
    %reduce_max3A_433 = vector.multi_reduction <maximumf>, %mul3A_431, %reduce_max3A_432 [1] : vector<256x512xf32> to vector<256xf32>
    %broadcast_in_dim3A_434 = vector.shape_cast %reduce_max3A_433 : vector<256xf32> to vector<256x1xf32>
    %mul3A_435 = arith.mulf %select_n3A_430, %sub3A_131 : vector<256x512xf32>
    %reduce_max3A_436 = arith.constant dense<0xFF800000> : vector<256xf32>
    %reduce_max3A_437 = vector.multi_reduction <maximumf>, %mul3A_435, %reduce_max3A_436 [1] : vector<256x512xf32> to vector<256xf32>
    %broadcast_in_dim3A_438 = vector.shape_cast %reduce_max3A_437 : vector<256xf32> to vector<256x1xf32>
    %dot_general3A_439 = arith.constant dense<0.000000e+00> : vector<1x512xf32>
    %dot_general3A_440 = tpu.matmul %broadcast_in_dim3A_133, %select_n3A_430, %dot_general3A_439 {dimension_numbers = #tpu.dot_dimension_numbers<[1], [0], [0], [1], [0, 0, 1, 1], [], []>, transpose_lhs_hint = false} : vector<1x256xf32>, vector<256x512xf32>, vector<1x512xf32> -> vector<1x512xf32>
    %reduce_sum3A_441 = arith.constant dense<0.000000e+00> : vector<1xf32>
    %reduce_sum3A_442 = vector.multi_reduction <add>, %dot_general3A_440, %reduce_sum3A_441 [1] : vector<1x512xf32> to vector<1xf32>
    %broadcast_in_dim3A_443 = vector.shape_cast %reduce_sum3A_442 : vector<1xf32> to vector<1x1xf32>
    %eq3A_444 = arith.constant 16 : i32
    %eq3A_445 = vector.broadcast %eq3A_444 : i32 to vector<256x512xi32>
    %eq3A_446 = arith.cmpi eq, %select_n3A_127, %eq3A_445 : vector<256x512xi32>
    %jit3A_447 = arith.constant 1.000000e+00 : f32
    %jit3A_448 = arith.constant 0.000000e+00 : f32
    %broadcast_in_dim3A_449 = vector.broadcast %jit3A_447 : f32 to vector<256x512xf32>
    %broadcast_in_dim3A_450 = vector.broadcast %jit3A_448 : f32 to vector<256x512xf32>
    %select_n3A_451 = arith.select %eq3A_446, %broadcast_in_dim3A_449, %broadcast_in_dim3A_450 : vector<256x512xi1>, vector<256x512xf32>
    %mul3A_452 = arith.mulf %select_n3A_451, %add3A_129 : vector<256x512xf32>
    %reduce_max3A_453 = arith.constant dense<0xFF800000> : vector<256xf32>
    %reduce_max3A_454 = vector.multi_reduction <maximumf>, %mul3A_452, %reduce_max3A_453 [1] : vector<256x512xf32> to vector<256xf32>
    %broadcast_in_dim3A_455 = vector.shape_cast %reduce_max3A_454 : vector<256xf32> to vector<256x1xf32>
    %mul3A_456 = arith.mulf %select_n3A_451, %sub3A_131 : vector<256x512xf32>
    %reduce_max3A_457 = arith.constant dense<0xFF800000> : vector<256xf32>
    %reduce_max3A_458 = vector.multi_reduction <maximumf>, %mul3A_456, %reduce_max3A_457 [1] : vector<256x512xf32> to vector<256xf32>
    %broadcast_in_dim3A_459 = vector.shape_cast %reduce_max3A_458 : vector<256xf32> to vector<256x1xf32>
    %dot_general3A_460 = arith.constant dense<0.000000e+00> : vector<1x512xf32>
    %dot_general3A_461 = tpu.matmul %broadcast_in_dim3A_133, %select_n3A_451, %dot_general3A_460 {dimension_numbers = #tpu.dot_dimension_numbers<[1], [0], [0], [1], [0, 0, 1, 1], [], []>, transpose_lhs_hint = false} : vector<1x256xf32>, vector<256x512xf32>, vector<1x512xf32> -> vector<1x512xf32>
    %reduce_sum3A_462 = arith.constant dense<0.000000e+00> : vector<1xf32>
    %reduce_sum3A_463 = vector.multi_reduction <add>, %dot_general3A_461, %reduce_sum3A_462 [1] : vector<1x512xf32> to vector<1xf32>
    %broadcast_in_dim3A_464 = vector.shape_cast %reduce_sum3A_463 : vector<1xf32> to vector<1x1xf32>
    %eq3A_465 = arith.constant 17 : i32
    %eq3A_466 = vector.broadcast %eq3A_465 : i32 to vector<256x512xi32>
    %eq3A_467 = arith.cmpi eq, %select_n3A_127, %eq3A_466 : vector<256x512xi32>
    %jit3A_468 = arith.constant 1.000000e+00 : f32
    %jit3A_469 = arith.constant 0.000000e+00 : f32
    %broadcast_in_dim3A_470 = vector.broadcast %jit3A_468 : f32 to vector<256x512xf32>
    %broadcast_in_dim3A_471 = vector.broadcast %jit3A_469 : f32 to vector<256x512xf32>
    %select_n3A_472 = arith.select %eq3A_467, %broadcast_in_dim3A_470, %broadcast_in_dim3A_471 : vector<256x512xi1>, vector<256x512xf32>
    %mul3A_473 = arith.mulf %select_n3A_472, %add3A_129 : vector<256x512xf32>
    %reduce_max3A_474 = arith.constant dense<0xFF800000> : vector<256xf32>
    %reduce_max3A_475 = vector.multi_reduction <maximumf>, %mul3A_473, %reduce_max3A_474 [1] : vector<256x512xf32> to vector<256xf32>
    %broadcast_in_dim3A_476 = vector.shape_cast %reduce_max3A_475 : vector<256xf32> to vector<256x1xf32>
    %mul3A_477 = arith.mulf %select_n3A_472, %sub3A_131 : vector<256x512xf32>
    %reduce_max3A_478 = arith.constant dense<0xFF800000> : vector<256xf32>
    %reduce_max3A_479 = vector.multi_reduction <maximumf>, %mul3A_477, %reduce_max3A_478 [1] : vector<256x512xf32> to vector<256xf32>
    %broadcast_in_dim3A_480 = vector.shape_cast %reduce_max3A_479 : vector<256xf32> to vector<256x1xf32>
    %dot_general3A_481 = arith.constant dense<0.000000e+00> : vector<1x512xf32>
    %dot_general3A_482 = tpu.matmul %broadcast_in_dim3A_133, %select_n3A_472, %dot_general3A_481 {dimension_numbers = #tpu.dot_dimension_numbers<[1], [0], [0], [1], [0, 0, 1, 1], [], []>, transpose_lhs_hint = false} : vector<1x256xf32>, vector<256x512xf32>, vector<1x512xf32> -> vector<1x512xf32>
    %reduce_sum3A_483 = arith.constant dense<0.000000e+00> : vector<1xf32>
    %reduce_sum3A_484 = vector.multi_reduction <add>, %dot_general3A_482, %reduce_sum3A_483 [1] : vector<1x512xf32> to vector<1xf32>
    %broadcast_in_dim3A_485 = vector.shape_cast %reduce_sum3A_484 : vector<1xf32> to vector<1x1xf32>
    %eq3A_486 = arith.constant 18 : i32
    %eq3A_487 = vector.broadcast %eq3A_486 : i32 to vector<256x512xi32>
    %eq3A_488 = arith.cmpi eq, %select_n3A_127, %eq3A_487 : vector<256x512xi32>
    %jit3A_489 = arith.constant 1.000000e+00 : f32
    %jit3A_490 = arith.constant 0.000000e+00 : f32
    %broadcast_in_dim3A_491 = vector.broadcast %jit3A_489 : f32 to vector<256x512xf32>
    %broadcast_in_dim3A_492 = vector.broadcast %jit3A_490 : f32 to vector<256x512xf32>
    %select_n3A_493 = arith.select %eq3A_488, %broadcast_in_dim3A_491, %broadcast_in_dim3A_492 : vector<256x512xi1>, vector<256x512xf32>
    %mul3A_494 = arith.mulf %select_n3A_493, %add3A_129 : vector<256x512xf32>
    %reduce_max3A_495 = arith.constant dense<0xFF800000> : vector<256xf32>
    %reduce_max3A_496 = vector.multi_reduction <maximumf>, %mul3A_494, %reduce_max3A_495 [1] : vector<256x512xf32> to vector<256xf32>
    %broadcast_in_dim3A_497 = vector.shape_cast %reduce_max3A_496 : vector<256xf32> to vector<256x1xf32>
    %mul3A_498 = arith.mulf %select_n3A_493, %sub3A_131 : vector<256x512xf32>
    %reduce_max3A_499 = arith.constant dense<0xFF800000> : vector<256xf32>
    %reduce_max3A_500 = vector.multi_reduction <maximumf>, %mul3A_498, %reduce_max3A_499 [1] : vector<256x512xf32> to vector<256xf32>
    %broadcast_in_dim3A_501 = vector.shape_cast %reduce_max3A_500 : vector<256xf32> to vector<256x1xf32>
    %dot_general3A_502 = arith.constant dense<0.000000e+00> : vector<1x512xf32>
    %dot_general3A_503 = tpu.matmul %broadcast_in_dim3A_133, %select_n3A_493, %dot_general3A_502 {dimension_numbers = #tpu.dot_dimension_numbers<[1], [0], [0], [1], [0, 0, 1, 1], [], []>, transpose_lhs_hint = false} : vector<1x256xf32>, vector<256x512xf32>, vector<1x512xf32> -> vector<1x512xf32>
    %reduce_sum3A_504 = arith.constant dense<0.000000e+00> : vector<1xf32>
    %reduce_sum3A_505 = vector.multi_reduction <add>, %dot_general3A_503, %reduce_sum3A_504 [1] : vector<1x512xf32> to vector<1xf32>
    %broadcast_in_dim3A_506 = vector.shape_cast %reduce_sum3A_505 : vector<1xf32> to vector<1x1xf32>
    %concatenate3A = tpu.concatenate %broadcast_in_dim3A_146, %broadcast_in_dim3A_165, %broadcast_in_dim3A_186, %broadcast_in_dim3A_207, %broadcast_in_dim3A_228, %broadcast_in_dim3A_249, %broadcast_in_dim3A_270, %broadcast_in_dim3A_291, %broadcast_in_dim3A_312, %broadcast_in_dim3A_333, %broadcast_in_dim3A_354, %broadcast_in_dim3A_375, %broadcast_in_dim3A_396, %broadcast_in_dim3A_417, %broadcast_in_dim3A_438, %broadcast_in_dim3A_459, %broadcast_in_dim3A_480, %broadcast_in_dim3A_501 in 1 : vector<256x1xf32>, vector<256x1xf32>, vector<256x1xf32>, vector<256x1xf32>, vector<256x1xf32>, vector<256x1xf32>, vector<256x1xf32>, vector<256x1xf32>, vector<256x1xf32>, vector<256x1xf32>, vector<256x1xf32>, vector<256x1xf32>, vector<256x1xf32>, vector<256x1xf32>, vector<256x1xf32>, vector<256x1xf32>, vector<256x1xf32>, vector<256x1xf32> -> vector<256x18xf32>
    %convert_element_type3A_507 = arith.fptosi %concatenate3A : vector<256x18xf32> to vector<256x18xi32>
    %sub3A_508 = arith.constant 512 : i32
    %sub3A_509 = vector.broadcast %sub3A_508 : i32 to vector<256x18xi32>
    %sub3A_510 = arith.subi %sub3A_509, %convert_element_type3A_507 : vector<256x18xi32>
    %concatenate3A_511 = tpu.concatenate %broadcast_in_dim3A_142, %broadcast_in_dim3A_161, %broadcast_in_dim3A_182, %broadcast_in_dim3A_203, %broadcast_in_dim3A_224, %broadcast_in_dim3A_245, %broadcast_in_dim3A_266, %broadcast_in_dim3A_287, %broadcast_in_dim3A_308, %broadcast_in_dim3A_329, %broadcast_in_dim3A_350, %broadcast_in_dim3A_371, %broadcast_in_dim3A_392, %broadcast_in_dim3A_413, %broadcast_in_dim3A_434, %broadcast_in_dim3A_455, %broadcast_in_dim3A_476, %broadcast_in_dim3A_497 in 1 : vector<256x1xf32>, vector<256x1xf32>, vector<256x1xf32>, vector<256x1xf32>, vector<256x1xf32>, vector<256x1xf32>, vector<256x1xf32>, vector<256x1xf32>, vector<256x1xf32>, vector<256x1xf32>, vector<256x1xf32>, vector<256x1xf32>, vector<256x1xf32>, vector<256x1xf32>, vector<256x1xf32>, vector<256x1xf32>, vector<256x1xf32>, vector<256x1xf32> -> vector<256x18xf32>
    %convert_element_type3A_512 = arith.fptosi %concatenate3A_511 : vector<256x18xf32> to vector<256x18xi32>
    %sub3A_513 = arith.constant 1 : i32
    %sub3A_514 = vector.broadcast %sub3A_513 : i32 to vector<256x18xi32>
    %sub3A_515 = arith.subi %convert_element_type3A_512, %sub3A_514 : vector<256x18xi32>
    %concatenate3A_516 = tpu.concatenate %broadcast_in_dim3A_149, %broadcast_in_dim3A_170, %broadcast_in_dim3A_191, %broadcast_in_dim3A_212, %broadcast_in_dim3A_233, %broadcast_in_dim3A_254, %broadcast_in_dim3A_275, %broadcast_in_dim3A_296, %broadcast_in_dim3A_317, %broadcast_in_dim3A_338, %broadcast_in_dim3A_359, %broadcast_in_dim3A_380, %broadcast_in_dim3A_401, %broadcast_in_dim3A_422, %broadcast_in_dim3A_443, %broadcast_in_dim3A_464, %broadcast_in_dim3A_485, %broadcast_in_dim3A_506 in 1 : vector<1x1xf32>, vector<1x1xf32>, vector<1x1xf32>, vector<1x1xf32>, vector<1x1xf32>, vector<1x1xf32>, vector<1x1xf32>, vector<1x1xf32>, vector<1x1xf32>, vector<1x1xf32>, vector<1x1xf32>, vector<1x1xf32>, vector<1x1xf32>, vector<1x1xf32>, vector<1x1xf32>, vector<1x1xf32>, vector<1x1xf32>, vector<1x1xf32> -> vector<1x18xf32>
    %convert_element_type3A_517 = arith.fptosi %concatenate3A_516 : vector<1x18xf32> to vector<1x18xi32>
    %mul3A_518 = arith.constant 1024 : i32
    %mul3A_519 = vector.broadcast %mul3A_518 : i32 to vector<256x18xi32>
    %mul3A_520 = arith.muli %sub3A_510, %mul3A_519 : vector<256x18xi32>
    %add3A_521 = arith.constant 1 : i32
    %add3A_522 = vector.broadcast %add3A_521 : i32 to vector<256x18xi32>
    %add3A_523 = arith.addi %sub3A_515, %add3A_522 : vector<256x18xi32>
    %add3A_524 = arith.addi %mul3A_520, %add3A_523 : vector<256x18xi32>
    %convert_element_type3A_525 = arith.sitofp %add3A_524 : vector<256x18xi32> to vector<256x18xf32>
    %transpose3A = tpu.transpose %convert_element_type3A_525, [1, 0] : vector<256x18xf32> -> vector<18x256xf32>
    %convert_element_type3A_526 = arith.fptosi %transpose3A : vector<18x256xf32> to vector<18x256xi32>
    %swap3A = arith.constant 0 : index
    %swap3A_527 = arith.constant 0 : index
    %swap3A_528 = arith.constant 0 : index
    %swap3A_529 = vector.load %arg3[%swap3A, %swap3A_527, %swap3A_528] : memref<1x32x256xi32, #tpu.memory_space<vmem>>, vector<1x18x256xi32>
    %swap3A_530 = vector.shape_cast %swap3A_529 : vector<1x18x256xi32> to vector<18x256xi32>
    %swap3A_531 = vector.shape_cast %convert_element_type3A_526 : vector<18x256xi32> to vector<1x18x256xi32>
    tpu.vector_store %arg3[%swap3A, %swap3A_527, %swap3A_528], %swap3A_531 {strides = array<i32>} : memref<1x32x256xi32, #tpu.memory_space<vmem>>, vector<1x18x256xi32>,
    %eq3A_532 = arith.constant 0 : i32
    %eq3A_533 = arith.cmpi eq, %arg1, %eq3A_532 : i32
    %convert_element_type3A_534 = arith.extui %eq3A_533 : i1 to i32
    %cond3A = arith.constant 0 : i32
    %cond3A_535 = arith.cmpi ne, %convert_element_type3A_534, %cond3A : i32
    scf.if %cond3A_535 {
      %broadcast_in_dim3A_548 = arith.constant 0 : i32
      %broadcast_in_dim3A_549 = vector.broadcast %broadcast_in_dim3A_548 : i32 to vector<1x128xi32>
      %swap3A_550 = arith.constant 0 : index
      %swap3A_551 = arith.constant 0 : index
      %swap3A_552 = vector.load %arg5[%swap3A_550, %swap3A_551] : memref<8x128xi32, #tpu.memory_space<vmem>>, vector<1x128xi32>
      tpu.vector_store %arg5[%swap3A_550, %swap3A_551], %broadcast_in_dim3A_549 {strides = array<i32>} : memref<8x128xi32, #tpu.memory_space<vmem>>, vector<1x128xi32>,
    } else {
    }
    %get3A_536 = arith.constant 0 : index
    %get3A_537 = arith.constant 0 : index
    %get3A_538 = vector.load %arg5[%get3A_536, %get3A_537] : memref<8x128xi32, #tpu.memory_space<vmem>>, vector<1x18xi32>
    %add3A_539 = arith.addi %get3A_538, %convert_element_type3A_517 : vector<1x18xi32>
    %swap3A_540 = arith.constant 0 : index
    %swap3A_541 = arith.constant 0 : index
    %swap3A_542 = vector.load %arg5[%swap3A_540, %swap3A_541] : memref<8x128xi32, #tpu.memory_space<vmem>>, vector<1x18xi32>
    tpu.vector_store %arg5[%swap3A_540, %swap3A_541], %add3A_539 {strides = array<i32>} : memref<8x128xi32, #tpu.memory_space<vmem>>, vector<1x18xi32>,
    %eq3A_543 = arith.constant 1 : i32
    %eq3A_544 = arith.cmpi eq, %arg1, %eq3A_543 : i32
    %convert_element_type3A_545 = arith.extui %eq3A_544 : i1 to i32
    %cond3A_546 = arith.constant 0 : i32
    %cond3A_547 = arith.cmpi ne, %convert_element_type3A_545, %cond3A_546 : i32
    scf.if %cond3A_547 {
      %get3A_548 = arith.constant 0 : index
      %get3A_549 = arith.constant 0 : index
      %get3A_550 = vector.load %arg5[%get3A_548, %get3A_549] : memref<8x128xi32, #tpu.memory_space<vmem>>, vector<1x32xi32>
      %convert_element_type3A_551 = arith.sitofp %get3A_550 : vector<1x32xi32> to vector<1x32xf32>
      %transpose3A_552 = tpu.transpose %convert_element_type3A_551, [1, 0] : vector<1x32xf32> -> vector<32x1xf32>
      %broadcast_in_dim3A_553 = vector.shape_cast %transpose3A_552 : vector<32x1xf32> to vector<32x1xf32>
      %broadcast_in_dim3A_554 = vector.broadcast %broadcast_in_dim3A_553 : vector<32x1xf32> to vector<32x16xf32>
      %convert_element_type3A_555 = arith.fptosi %broadcast_in_dim3A_554 : vector<32x16xf32> to vector<32x16xi32>
      %swap3A_556 = arith.constant 0 : index
      %swap3A_557 = arith.constant 0 : index
      %swap3A_558 = arith.constant 0 : index
      %swap3A_559 = vector.load %arg4[%swap3A_556, %swap3A_557, %swap3A_558] : memref<1x32x16xi32, #tpu.memory_space<vmem>>, vector<1x32x16xi32>
      %swap3A_560 = vector.shape_cast %swap3A_559 : vector<1x32x16xi32> to vector<32x16xi32>
      %swap3A_561 = vector.shape_cast %convert_element_type3A_555 : vector<32x16xi32> to vector<1x32x16xi32>
      tpu.vector_store %arg4[%swap3A_556, %swap3A_557, %swap3A_558], %swap3A_561 {strides = array<i32>} : memref<1x32x16xi32, #tpu.memory_space<vmem>>, vector<1x32x16xi32>,
    } else {
    }
    return
  }
  func.func @transform_0(%arg0: i32, %arg1: i32) -> (i32, i32, i32, i32) {
    %c0_i32 = arith.constant 0 : i32
    %c0_i32_0 = arith.constant 0 : i32
    %c0_i32_1 = arith.constant 0 : i32
    return %arg0, %c0_i32, %arg1, %c0_i32_0 : i32, i32, i32, i32
  }
  func.func @transform_1(%arg0: i32, %arg1: i32) -> (i32, i32, i32) {
    %c0_i32 = arith.constant 0 : i32
    %c0_i32_0 = arith.constant 0 : i32
    return %arg0, %c0_i32, %arg1 : i32, i32, i32
  }
  func.func @transform_2(%arg0: i32, %arg1: i32) -> (i32, i32, i32) {
    %c0_i32 = arith.constant 0 : i32
    %c0_i32_0 = arith.constant 0 : i32
    %c0_i32_1 = arith.constant 0 : i32
    return %arg0, %c0_i32, %c0_i32_0 : i32, i32, i32
  }
}

</mosaic_0001>

<sc_bundles>
// kernel: kernel.4.cloned.1.call-start
scs
__scs_entry_jumppad:
0x0: {  	(pc) =	sbr.rel $0x88, $3  }
0x1: {  	(tag) =	ssettag $0x0;
	lr =	simm.s32 $0x1  }
0x2: {  	[smem:$0x3FA0] =	sst lr;
	_ =	strace $0xD0000000  }
0x3: {  	_ = 	snop  }
0x4: {  	_ = 	snop  }
0x5: {  	_ = 	snop  }
0x6: {  	_ = 	snop  }
0x7: {  	_ = 	snop  }
__scs_overlays_trampoline_lowered:
0x8: {  	[smem:$0x3FAF] =	sst s0  }
0x9: {  	[smem:$0x3FB0] =	sst s1  }
0xa: {  	[smem:$0x3FB1] =	sst s2  }
0xb: {  	[smem:$0x3FB2] =	sst s3  }
0xc: {  	[smem:$0x3FB3] =	sst s4  }
0xd: {  	[smem:$0x3FB4] =	sst s5  }
0xe: {  	[smem:$0x3FB5] =	sst s6  }
0xf: {  	[smem:$0x3FB6] =	sst s7  }
0x10: {  	[smem:$0x3FB7] =	sst s8  }
0x11: {  	[smem:$0x3FB8] =	sst s9;
	s0 =	simm.s32 @!p0 $0x0  }
0x12: {  	s1 =	sld [smem:$0x3F9E];
	s0 =	simm.s32 @p0 $0x1  }
0x13: {  	[smem:$0x3FB9] =	sst s0;
	s0 =	simm.s32 @!p1 $0x0  }
0x14: {  	s2 =	sld [smem:$0x3F9D];
	s0 =	simm.s32 @p1 $0x1  }
0x15: {  	[smem:$0x3FBA] =	sst s0;
	s0 =	simm.s32 @!p2 $0x0  }
0x16: {  	s3 =	sld [smem:$0x3FDB];
	s0 =	simm.s32 @p2 $0x1  }
0x17: {  	s4 =	simm.s32 $0x1BF5;
	[smem:$0x3FBC] =	sst s0  }
0x18: {  	s0 =	sld [smem:$0x3F9F];
	_ =	swait.ge [sflag:s4], $0x0  }
0x19: {  	s7 =	sld [smem:$0x3FA0]  }
0x1a: {  	s8 =	sadd.s32 $0xFFFFE003, lr  }
0x1b: {  	s9 =	sadd.s32 $0xFFFFFEF7, lr;
	s5 =	simm.s32 $0xFFFFFFFF;
	p2 =	slt.u32 s8, $0xFFFFF086  }
0x1c: {  	p1 =	slt.u32 s9, $0xF7A;
	s5 =	simm.s32 @!p2 $0x0  }
0x1d: {  	s5 =	simm.s32 @p1 $0x1;
	p0 =	seq.s32 s7, s2  }
0x1e: {  	s7 =	smul.u32 @!p0 $0xF7A, s2;
	p2 =	seq.s32 @!p0 s5, $0x0  }
0x1f: {  	s9 =	smul.u32 $0xF7A, s1;
	s8 =	simm.s32 @!p0 $0x1BF5;
	p2 =	por !p2, p0  }
0x20: {  	[sflag:s8] =	ssyncset.s32 @!p0 $0xFFFFF086;
	s6 =	sadd.s32 @!p0 s3, s7;
	s7 =	simm.s32 @!p0 $0x108  }
0x21: {  	s3 =	sadd.s32 s3, s9;
	s6 =	sadd.s32 @!p0 $0x88, s6;
	s7 =	simm.s32 @p2 $0x1082  }
0x22: {  	[simem:s7], [sflag:s8] =	dma.local @!p0 [hbm:s6], $0xF7A  }
0x23: {  	s9 =	sor.u32 $0xD0000000, s2;
	s6 =	simm.s32 $0x108;
	_ =	swait.ge @!p0 [sflag:s8], $0x0  }
0x24: {  	s3 =	sadd.s32 $0x88, s3;
	s6 =	simm.s32 @!p1 $0x1082;
	[sflag:s4] =	ssyncset.s32 $0xFFFFF086  }
0x25: {  	[simem:s6], [sflag:s4] =	dma.local [hbm:s3], $0xF7A  }
0x26: {  	[smem:$0x3FA0] =	sst s1;
	(tag) =	ssettag s2;
	_ =	strace s9  }
0x27: {  	s1 =	sld [smem:$0x3FB0]  }
0x28: {  	s2 =	sld [smem:$0x3FB1]  }
0x29: {  	s4 =	sld [smem:$0x3FB3]  }
0x2a: {  	p0 =	seq.s32 s5, $0x0;
	s5 =	sld [smem:$0x3FB4]  }
0x2b: {  	s6 =	sld [smem:$0x3FB5]  }
0x2c: {  	s7 =	sld [smem:$0x3FB6]  }
0x2d: {  	s3 =	simm.s32 $0x108;
	s8 =	sld [smem:$0x3FB7]  }
0x2e: {  	s3 =	simm.s32 @!p0 $0x1082;
	s9 =	sld [smem:$0x3FB8]  }
0x2f: {  	lr =	sadd.s32 s0, s3;
	s0 =	sld [smem:$0x3FAF]  }
0x30: {  	s3 =	sld [smem:$0x3FB2]  }
0x31: {  	[smem:$0x3FBB] =	sst s10  }
0x32: {  	s10 =	sld [smem:$0x3FB9];
	_ =	sdelay $0x3  }
0x33: {  	p0 =	seq.s32 s10, $0x1;
	s10 =	sld [smem:$0x3FBB];
	_ =	sdelay $0x3  }
0x34: {  	[smem:$0x3FBB] =	sst s10  }
0x35: {  	s10 =	sld [smem:$0x3FBA];
	_ =	sdelay $0x3  }
0x36: {  	p1 =	seq.s32 s10, $0x1;
	s10 =	sld [smem:$0x3FBB];
	_ =	sdelay $0x3  }
0x37: {  	[smem:$0x3FBB] =	sst s10  }
0x38: {  	s10 =	sld [smem:$0x3FBC]  }
0x39: {  	_ = 	snop;
	(pc) =	sbr.ind lr, $3  }
0x3a: {  	_ = 	snop  }
0x3b: {  	_ = 	snop  }
0x3c: {  	p2 =	seq.s32 s10, $0x1;
	s10 =	sld [smem:$0x3FBB]  }
0x3d: {  	_ =	shalt  }
0x3e: {  	_ =	shalt  }
0x3f: {  	_ =	shalt  }
0x40: {  	_ =	shalt  }
0x41: {  	_ =	shalt  }
0x42: {  	_ =	shalt  }
0x43: {  	_ =	shalt  }
0x44: {  	_ =	shalt  }
0x45: {  	_ =	shalt  }
0x46: {  	_ =	shalt  }
0x47: {  	_ =	shalt  }
0x48: {  	_ =	shalt  }
0x49: {  	_ =	shalt  }
0x4a: {  	_ =	shalt  }
0x4b: {  	_ =	shalt  }
0x4c: {  	_ =	shalt  }
0x4d: {  	_ =	shalt  }
0x4e: {  	_ =	shalt  }
0x4f: {  	_ =	shalt  }
0x50: {  	_ =	shalt  }
0x51: {  	_ =	shalt  }
0x52: {  	_ =	shalt  }
0x53: {  	_ =	shalt  }
0x54: {  	_ =	shalt  }
0x55: {  	_ =	shalt  }
0x56: {  	_ =	shalt  }
0x57: {  	_ =	shalt  }
0x58: {  	_ =	shalt  }
0x59: {  	_ =	shalt  }
0x5a: {  	_ =	shalt  }
0x5b: {  	_ =	shalt  }
0x5c: {  	_ =	shalt  }
0x5d: {  	_ =	shalt  }
0x5e: {  	_ =	shalt  }
0x5f: {  	_ =	shalt  }
0x60: {  	_ =	shalt  }
0x61: {  	_ =	shalt  }
0x62: {  	_ =	shalt  }
0x63: {  	_ =	shalt  }
0x64: {  	_ =	shalt  }
0x65: {  	_ =	shalt  }
0x66: {  	_ =	shalt  }
0x67: {  	_ =	shalt  }
0x68: {  	_ =	shalt  }
0x69: {  	_ =	shalt  }
0x6a: {  	_ =	shalt  }
0x6b: {  	_ =	shalt  }
0x6c: {  	_ =	shalt  }
0x6d: {  	_ =	shalt  }
0x6e: {  	_ =	shalt  }
0x6f: {  	_ =	shalt  }
0x70: {  	_ =	shalt  }
0x71: {  	_ =	shalt  }
0x72: {  	_ =	shalt  }
0x73: {  	_ =	shalt  }
0x74: {  	_ =	shalt  }
0x75: {  	_ =	shalt  }
0x76: {  	_ =	shalt  }
0x77: {  	_ =	shalt  }
0x78: {  	_ =	shalt  }
0x79: {  	_ =	shalt  }
0x7a: {  	_ =	shalt  }
0x7b: {  	_ =	shalt  }
0x7c: {  	_ =	shalt  }
0x7d: {  	_ =	shalt  }
0x7e: {  	_ =	shalt  }
0x7f: {  	_ =	shalt  }
0x80: {  	_ =	shalt  }
0x81: {  	_ =	shalt  }
0x82: {  	_ =	shalt  }
0x83: {  	_ =	shalt  }
0x84: {  	_ =	shalt  }
0x85: {  	_ =	shalt  }
0x86: {  	_ =	shalt  }
0x87: {  	_ =	shalt  }
.Lfunc_end0:
.L_simem_size_0:
called_computation_lowered:
.L_overlay_start_0:
0x88: {  	s2 =	sld [smem:$0x3FD9]  }
0x89: {  	s3 =	sld [smem:$0x3FFE];
	_ =	sdelay $0x1  }
0x8a: {  	s1 =	srdreg.scid  }
0x8b: {  	s0 =	sand.u32 $0x1, s1  }
0x8c: {  	s16 =	sshll.u32 s0, $0xA;
	s2 =	sadd.s32 s3, s2  }
0x8d: {  	s2 =	sadd.s32 s2, s16  }
0x8e: {  	[smem:$0x3FC7] =	sst s2  }
0x8f: {  	_ = 	snop  }
0x90: {  	(tm) =	ssettm $0x1  }
0x91: {  	s17 =	sld [smem:$0x3FFB];
	_ =	sdelay $0x3  }
0x92: {  	_ =	strace s17  }
0x93: {  	s2 =	sld [smem:$0x3FFC];
	_ =	sdelay $0x3  }
0x94: {  	_ =	strace s2  }
0x95: {  	s2 =	sld [smem:$0x3FFD];
	_ =	sdelay $0x3  }
0x96: {  	_ =	strace s2  }
0x97: {  	_ =	strace $0x8FFFFFFF  }
0x98: {  	s18 =	sld [smem:$0x3FDB];
	_ =	sdelay $0x1  }
0x99: {  	s19 =	simm.s32 $_scs_section_size  }
0x9a: {  	s4 =	simm.s32 $_size__tile_overlayer_lowered;
	s5 =	simm.s32 $_tile_overlayer_lowered  }
0x9b: {  	s22 =	simm.s32 $0x1BFF;
	s21 =	sshll.u32 s5, $0x1;
	s2 =	sadd.s32 s19, s18  }
0x9c: {  	s6 =	simm.s32 $0x0;
	s20 =	sshll.u32 s4, $0x1;
	s4 =	sadd.s32 s21, s2  }
0x9d: {  	[timem:s6], [sflag:s22] =	dma.local [hbm:s4], s20  }
0x9e: {  	_ =	swait.ge [sflag:s22], s20  }
0x9f: {  	s3 =	ssub.s32 $0x0, s20;
	[sflag:s22] =	ssyncset.done $0x0  }
0xa0: {  	[sflag:s22] =	ssyncadd.s32 s3;
	_ =	sdelay $0x1  }
0xa1: {  	s23 =	simm.s32 $0x1B8B  }
0xa2: {  	_ =	swait.ge [sflag:s23], $0x1  }
0xa3: {  	[sflag:s23] =	ssyncset.done $0x0  }
0xa4: {  	s25 =	simm.s32 $0x1B8E;
	s24 =	sld [smem:$0x3FFE];
	[sflag:s23] =	ssyncadd.s32 $0xFFFFFFFF  }
0xa5: {  	s26 =	simm.s32 $execute0_lowered;
	[smem:$0x3FD2] =	sst s25  }
0xa6: {  	s4 =	sshll.u32 s26, $0x1;
	_ =	strace $0x80000046;
	[dreg:$0x1] =	wrdreg $0xFFFFFFFF  }
0xa7: {  	s28 =	simm.s32 $_size_execute0_lowered;
	s2 =	sadd.s32 s2, s4;
	[dreg:$0x0] =	wrdreg $0x0  }
0xa8: {  	s4 =	sshll.u32 s28, $0x1;
	[dreg:$0x2] =	wrdreg s2  }
0xa9: {  	[dreg:$0x3] =	wrdreg s4  }
0xaa: {  	[dreg:$0x4] =	wrdreg $0xC0  }
0xab: {  	_ =	task [dreg:s6], $0x5FFFF  }
0xac: {  	[dreg:$0x1] =	wrdreg $0xFFFFFFFF  }
0xad: {  	[dreg:$0x0] =	wrdreg $0x60  }
0xae: {  	[dreg:$0x2] =	wrdreg s24  }
0xaf: {  	[dreg:$0x3] =	wrdreg $0x9  }
0xb0: {  	_ =	task.clear_ibuf [dreg:s6], $0x4FFFF;
	_ =	strace $0x90000046  }
0xb1: {  	s29 =	simm.s32 $0x9;
	_ =	strace $0x80000048  }
0xb2: {  	_ =	swait.ge [sflag:s29], $0x1  }
0xb3: {  	[sflag:s29] =	ssyncadd.s32 $0xFFFFFFFF  }
0xb4: {  	_ =	strace $0x90000048  }
0xb5: {  	_ =	sfence  }
0xb6: {  	s30 =	sld [smem:$0x0];
	_ =	sdelay $0x2  }
0xb7: {  	s31 =	sshll.u32 s1, $0xD;
	s1 =	sshrl.u32 s1, $0x2  }
0xb8: {  	s3 =	sand.u32 $0x4000, s31;
	s1 =	sadd.s32 s1, s30  }
0xb9: {  	s0 =	sor.u32 s3, s0;
	s1 =	sshll.u32 s1, $0x11  }
0xba: {  	s0 =	sor.u32 s1, s0  }
0xbb: {  	s0 =	sadd.s32 $0x8F2B, s0  }
0xbc: {  	[sflag:s0] =	ssyncadd.remote.s32 $0x1  }
0xbd: {  	_ =	sfence.sel $0xFFFF  }
0xbe: {  	[dreg:$0x0] =	wrdreg $0xFFFFFFFF;
	(pc) =	sbr.abs _section_cstart, $3  }
0xbf: {  	[dreg:$0x1] =	wrdreg $0xFFFFFFFF  }
0xc0: {  	_ =	task.clear_ibuf [dreg:s6], $0x2FFFF;
	_ =	strace $0x9FFFFFFF  }
0xc1: {  	(tm) =	ssettm $0x7FFFFFFF  }
tec
execute0_lowered:
.L_overlay_start_1:
0x0: {  	(tag) =	ssettag $0x1  }
0x1: {  	s3 =	rddreg [dreg:$0x0]  }
0x2: {  	s0 =	rddreg [dreg:$0x1];
	s2 =	simm.s32 $0x0  }
0x3: {  	s4 =	srdreg.scid;
	s1 =	stileid.u32;
	s11 =	simm.s32 $0x4000  }
0x4: {  	s14 =	simm.s32 $0x280;
	s15 =	simm.s32 $0x0;
	[smem:$0x7FF] =	sst s2  }
0x5: {  	s4 =	sand.u32 $0x1, s4;
	s5 =	sshll.u32 s1, $0x1;
	s6 =	sadd.s32 $0x600, s3  }
0x6: {  	s8 =	sadd.s32 $0x1600, s3;
	p0 =	sgt.u32 s1, $0x8;
	_ =	strace $0x80000047  }
0x7: {  	s7 =	sor.u32 s4, s5;
	s4 =	ssub.s32 $0x2, s4;
	p1 =	slt.u32 s5, $0x12  }
0x8: {  	s11 =	simm.s32 @!p0 $0x0;
	s9 =	sshll.u32 s7, $0x4;
	s10 =	sadd.s32 $0xFFFFFFEE, s7  }
0x9: {  	s21 =	sor.u32 $0x20, s7;
	s23 =	sshrl.u32 s4, $0x1;
	s10 =	smov.u32 @p1 s7  }
0xa: {  	s22 =	sand.u32 $0xFF, s21;
	s9 =	sadd.s32 s9, s3;
	s12 =	sshrl.u32 s10, $0x3  }
0xb: {  	s7 =	smul.u32 $0x39, s22;
	s10 =	sshll.u32 s10, $0x7;
	s13 =	sshll.u32 s12, $0xC  }
0xc: {  	s10 =	sand.u32 $0x380, s10;
	s25 =	sshll.u32 s12, $0xA;
	s12 =	simm.s32 $0x1  }
0xd: {  	s11 =	sor.u32 s11, s13;
	s7 =	sshrl.u32 s7, $0xA;
	s13 =	ssub.s32 s4, s23  }
0xe: {  	s4 =	simm.s32 $0x1000;
	s11 =	sor.u32 s10, s11;
	s7 =	smul.u32 $0x12, s7  }
0xf: {  	s4 =	simm.s32 @!p0 $0x0;
	p0 =	sgt.u32 s1, $0x1;
	s24 =	sshrl.u32 s11, $0x3  }
0x10: {  	s4 =	sor.u32 s4, s25;
	s3 =	sadd.s32 s6, s24;
	s5 =	ssub.s32 s21, s7  }
0x11: {  	s4 =	sor.u32 s10, s4;
	s10 =	simm.s32 $0x80;
	s26 =	sand.u32 $0xF8, s5  }
0x12: {  	v0 =	vimm.s32 $0xEDCBA987;
	s5 =	sshll.u32 s5, $0x7;
	s4 =	sshrl.u32 s4, $0x3;
	s28 =	sshrl.u32 s26, $0x3  }
0x13: {  	v1 =	vimm.s32 $0x65432100;
	v2 =	vunpack.c.l.s4.s8 v0;
	s5 =	sand.u32 $0x380, s5;
	s11 =	sshll.u32 s28, $0xC;
	s7 =	sshll.u32 s28, $0xA  }
.Ltmp0:
0x14: {  	v0 =	vlaneseq.u32;
	v1 =	vunpack.c.l.s4.s8 v1;
	s29 =	sor.u32 s5, s11;
	s5 =	sor.u32 s5, s7;
	(pc) =	sbr.rel .LBB2_1-.Ltmp0, $4  }
0x15: {  	v3 =	vmul.u32 $0x800, v0;
	v2 =	vunpack.c.0.s8.s32 v2;
	s4 =	sadd.s32 s8, s4;
	s30 =	sshrl.u32 s29, $0x3;
	s5 =	sshrl.u32 s5, $0x3  }
0x16: {  	v4 =	vmul.u32 $0xFFFFFFFF, v0;
	v5 =	vunpack.c.0.s8.s32 v1;
	s11 =	simm.s32 $0x400;
	s6 =	sadd.s32 s30, s6;
	s31 =	sadd.s32 s5, s8  }
0x17: {  	v1 =	vadd.s32 $0x800, v3;
	v3 =	vand.u32 $0xF, v2;
	s5 =	sadd.s32 $0x1A00, s9;
	s8 =	sadd.s32 $0x1C00, s9;
	s9 =	smax.u32 s13, $0x1  }
0x18: {  	vm0 =	vmmov $0x1;
	v2 =	vadd.s32 $0x200, v4;
	v3 =	vcombine.low v5, v3;
	s13 =	simm.s32 $0x200;
	s6 =	sadd.s32 $0x800, s6;
	s7 =	sadd.s32 $0x200, s31  }
.LBB2_6:
0x19: {  	s18 =	spop (v2sf);
	v12 =	vsel vm1, $0xFFFFFFFF, v12;
	v18 =	vsub.s32 $0x0, v13;
	v51 =	vand.u32 $0x7FF, v6  }
0x1a: {  	vm4 =	vmmov vm4;
	v55 =	vadd.s32 v2, v14;
	p1 =	sgt.s32 s22, s18;
	v13 =	vmin.u32 v13, v18  }
0x1b: {  	v54 =	vadd.s32 s16, v51;
	v56 =	vsub.s32 $0x0, v55;
	s18 =	smov.u32 @p1 s22;
	v52 =	vnsel vm7, $0x0, v13  }
0x1c: {  	v58 =	vld [tilespmem:$0x200];
	v59 =	vmin.u32 v55, v56;
	v4 =	vsub.s32 v4, v54;
	vm1 =	vgt.s32 v12, s18  }
0x1d: {  	v4 =	vadd.s32 v2, v4;
	v12 =	vnsel vm1, s18, v12;
	vm1 =	vgt.s32 v11, $0xFFFFFFFF  }
0x1e: {  	v11 =	vadd.s32 v52, v17;
	v60 =	vsub.s32 $0x0, v4;
	v53 =	vand.u32 $0x7FF, v12  }
0x1f: {  	v11 =	vadd.s32 v16, v11;
	vm5 =	vgt.s32 v12, $0xFFFFFFFF;
	vm1 =	vmand vm2, vm1  }
0x20: {  	vm2 =	vgt.s32 v6, $0xFFFFFFFF;
	v4 =	vmin.u32 v4, v60;
	v8 =	vadd.s32 v11, v8  }
0x21: {  	v62 =	vcvt.s32.f32 v58;
	v13 =	vadd.s32 s17, v53;
	v8 =	vadd.s32 v15, v8  }
0x22: {  	vm2 =	vmand vm4, vm2;
	v9 =	vsub.s32 v9, v13;
	v7 =	vadd.s32 v7, v8  }
0x23: {  	v61 =	vnsel vm1, $0x0, v59;
	v9 =	vadd.s32 v2, v9;
	v7 =	vadd.s32 v10, v7  }
0x24: {  	vm1 =	vmand vm3, vm5;
	v57 =	vsub.s32 $0x0, v9;
	v5 =	vadd.s32 v5, v7  }
0x25: {  	v4 =	vnsel vm2, $0x0, v4;
	v9 =	vmin.u32 v9, v57;
	v5 =	vadd.s32 v61, v5  }
0x26: {  	v63 =	vnsel vm1, $0x0, v9;
	v4 =	vadd.s32 v4, v5;
	v5 =	vadd.f32 $-1.000000000e+00, v62  }
0x27: {  	v4 =	vadd.s32 v63, v4  }
0x28: {  	(xrf0) =	vadd.scan.msk.s32 $0xffff, v4;
	v4 =	vmax.f32 v5, $1.000000000e+00  }
0x29: {  	(erf) = vrcp.f32 v4;
	v4 =	vadd.f32 $1.000000000e+00, v62;
	_ =	sdelay $0x1  }
0x2a: {  	(erf) = vrcp.f32 v4;
	_ =	sdelay $0x2  }
0x2b: {  	v4, _, _ =	vpop (xrf0)  }
0x2c: {  	v4 =	vcvt.s32.f32 v4;
	_ =	sdelay $0x1  }
0x2d: {  	v4 =	vbroadcast v4, $0xF  }
0x2e: {  	v5 =	vpop (erf)  }
0x2f: {  	v4 =	vmul.f32 v5, v4  }
0x30: {  	v5 =	vpop (erf)  }
0x31: {  	v4 =	vmul.f32 v4, v5  }
0x32: {  	vm1 =	vgt.s32 v58, $0x1  }
0x33: {  	v4 =	vnsel vm1, $0x0, v4  }
0x34: {  	v4 =	vnsel vm0, $0x0, v4  }
0x35: {  	s31 =	spop (v2sf);
	[tilespmem:$0x280] =	vst v4  }
0x36: {  	[hbm4b:s8+s2] =	stream.linear.scatter [tilespmem:s14], [sflag:$0x1], $0x80, $0x38;
	[tilespmem:$0x300] =	vst v63  }
0x37: {  	_ =	swait.ge [sflag:s12], $0x80  }
0x38: {  	[sflag:s12] =	ssyncset.done $0x0  }
0x39: {  	[sflag:s12] =	ssyncadd.s32 $0xFFFFFF80  }
.LBB2_7:
0x3a: {  	s15 =	sadd.s32 $0x1, s15  }
0x3b: {  	p1 =	sne.s32 s15, s9  }
.Ltmp1:
0x3c: {  	_ = 	snop;
	(pc) =	sbr.rel @!p1 .LBB2_8-.Ltmp1, $1  }
0x3d: {  	_ =	sdelay $0x3  }
.LBB2_1:
0x3e: {  	[tilespmem:s2], [sflag:$0x1] =	stream.strided.gather [hbm4b:s3+s10], $0x200, s11, s10, $0x38;
	[tilespmem:$0x300] =	vst v63  }
0x3f: {  	_ =	swait.ge [sflag:s12], $0x200  }
0x40: {  	[sflag:s12] =	ssyncset.done $0x0  }
0x41: {  	[sflag:s12] =	ssyncadd.s32 $0xFFFFFE00  }
0x42: {  	[tilespmem:s13], [sflag:$0x1] =	stream.linear.gather [hbm4b:s4+s2], $0x80, $0x38;
	[tilespmem:$0x300] =	vst v63  }
0x43: {  	_ =	swait.ge [sflag:s12], $0x80  }
0x44: {  	[sflag:s12] =	ssyncset.done $0x0  }
0x45: {  	s17 =	simm.s32 $0x20;
	[sflag:s12] =	ssyncadd.s32 $0xFFFFFF80  }
0x46: {  	v4 =	vld [tilespmem:s17+$0xFFFFFFE0];
	_ =	sdelay $0x1  }
0x47: {  	v5 =	vld [tilespmem:s17+$0xFFFFFFF0]  }
0x48: {  	v6 =	vmov s2  }
0x49: {  	s16 =	simm.s32 $0x10;
	v7 =	vshll.u32 v6, $0xB  }
0x4a: {  	v8 =	vmov s16;
	v7 =	vor.u32 v1, v7;
	v9 =	vand.u32 $0x3FF, v4  }
0x4b: {  	v10 =	vshll.u32 v8, $0xB;
	v6 =	vsub.s32 v7, v6;
	v7 =	vadd.s32 $0xFFFFFFFF, v9  }
0x4c: {  	v10 =	vadd.s32 v1, v10;
	v11 =	vand.u32 $0x3FF, v5;
	v6 =	vadd.s32 v7, v6  }
0x4d: {  	v8 =	vsub.s32 v10, v8;
	v10 =	vadd.s32 $0xFFFFFFFF, v11;
	v6 =	vadd.s32 v2, v6  }
0x4e: {  	vm5 =	vne.s32 v9, $0x0;
	v8 =	vadd.s32 v10, v8;
	v6 =	vxor.u32 $0x80000000, v6  }
0x4f: {  	v8 =	vadd.s32 v2, v8;
	v6 =	vnsel vm5, $0x7FFFFFFF, v6  }
0x50: {  	vm2 =	vne.s32 v11, $0x0;
	(xrf0) =	vmax.scan.msk.u32 $0xffff, v6;
	v6 =	vxor.u32 $0x80000000, v8  }
0x51: {  	s29 =	simm.s32 $0x20;
	v12 =	vld [tilespmem:s17+$0x0];
	v6 =	vnsel vm2, $0x7FFFFFFF, v6  }
0x52: {  	(xrf0) =	vmax.scan.msk.u32 $0xffff, v6;
	v6 =	vmov s29  }
0x53: {  	v11 =	vshll.u32 v6, $0xB  }
0x54: {  	v11 =	vor.u32 v1, v11;
	_ =	sdelay $0x1  }
0x55: {  	v14 =	vand.u32 $0x3FF, v12  }
0x56: {  	v6 =	vsub.s32 v11, v6;
	v11, _, _ =	vpop (xrf0)  }
0x57: {  	v9 =	vld [tilespmem:s17+$0x10];
	v11 =	vxor.u32 $0x80000000, v11  }
0x58: {  	s23 =	simm.s32 $0x60;
	v16 =	vadd.s32 $0xFFFFFFFF, v14;
	vm4 =	vne.s32 v14, $0x0;
	v14, _, _ =	vpop (xrf0);
	(v2sf) =	vpush v11, $0xF  }
0x59: {  	s18 =	simm.s32 $0x30;
	v20 =	vld [tilespmem:s23+$0x10];
	v14 =	vxor.u32 $0x80000000, v14  }
0x5a: {  	vm1 =	veq.s32 v0, $0x0;
	s31 =	simm.s32 $0x50;
	v22 =	vld [tilespmem:s23+$0xFFFFFFF0];
	v8 =	vmov s18;
	(v2sf) =	vpush v14, $0xF  }
0x5b: {  	v19 =	vmov s31;
	v15 =	vshll.u32 v8, $0xB;
	v6 =	vadd.s32 v16, v6  }
0x5c: {  	v13 =	vand.u32 $0x3FF, v9;
	v15 =	vadd.s32 v1, v15;
	v6 =	vadd.s32 v2, v6  }
0x5d: {  	v17 =	vadd.s32 $0xFFFFFFFF, v13;
	v8 =	vsub.s32 v15, v8;
	v6 =	vxor.u32 $0x80000000, v6  }
0x5e: {  	v5 =	vshra.s32 v5, $0xA;
	v8 =	vadd.s32 v17, v8;
	v6 =	vnsel vm4, $0x7FFFFFFF, v6  }
0x5f: {  	v25 =	vand.u32 $0x3FF, v20;
	v26 =	vand.u32 $0x3FF, v22;
	(xrf0) =	vmax.scan.msk.u32 $0xffff, v6;
	v6 =	vadd.s32 v2, v8  }
0x60: {  	vm3 =	vne.s32 v13, $0x0;
	v8 =	vperm.xlane v11, v3;
	v6 =	vxor.u32 $0x80000000, v6  }
0x61: {  	v28 =	vadd.s32 $0xFFFFFFFF, v26;
	vm8 =	vne.s32 v26, $0x0;
	v6 =	vnsel vm3, $0x7FFFFFFF, v6  }
0x62: {  	s19 =	simm.s32 $0xFFFFFFFF;
	v60 =	vadd.s32 $0xFFFFFFFF, v25;
	(xrf0) =	vmax.scan.msk.u32 $0xffff, v6;
	v6 =	vshra.s32 v4, $0xA;
	v4 =	vsel vm1, $0xFFFFFFFF, v8  }
0x63: {  	v8 =	vperm.xlane v14, v3;
	vm6 =	vgt.s32 v4, s19;
	v7 =	vsub.s32 v7, v6  }
0x64: {  	v9 =	vshra.s32 v9, $0xA;
	v4 =	vnsel vm6, s19, v4;
	v7 =	vnsel vm5, $0x0, v7  }
0x65: {  	v8 =	vsel vm1, $0xFFFFFFFF, v8;
	v13, _, _ =	vpop (xrf0);
	v14 =	vand.u32 $0x7FF, v4;
	vm6 =	vgt.s32 v4, $0xFFFFFFFF  }
0x66: {  	v4 =	vshra.s32 v12, $0xA;
	v13 =	vxor.u32 $0x80000000, v13;
	v14 =	vadd.s32 s2, v14  }
0x67: {  	vm5 =	vmand vm5, vm6;
	v15 =	vsub.s32 v16, v4;
	v6 =	vsub.s32 v6, v14;
	s20 =	spop (v2sf)  }
0x68: {  	(v2sf) =	vpush v13, $0xF;
	v13 =	vperm.xlane v13, v3;
	v12, _, _ =	vpop (xrf0);
	v6 =	vadd.s32 v2, v6;
	p1 =	slt.s32 s20, $0xFFFFFFFF  }
0x69: {  	v16 =	vsub.s32 v17, v9;
	v12 =	vxor.u32 $0x80000000, v12;
	v14 =	vsub.s32 $0x0, v6;
	s22 =	spop (v2sf);
	s20 =	smov.u32 @p1 s19  }
0x6a: {  	v13 =	vsel vm1, $0xFFFFFFFF, v13;
	v17 =	vperm.xlane v12, v3;
	vm6 =	vgt.s32 v8, s20;
	p1 =	sgt.s32 s20, s22  }
0x6b: {  	v6 =	vmin.u32 v6, v14;
	(v2sf) =	vpush v12, $0xF;
	v8 =	vnsel vm6, s20, v8;
	s22 =	smov.u32 @p1 s20  }
0x6c: {  	v12 =	vnsel vm5, $0x0, v6;
	v6 =	vand.u32 $0x7FF, v8;
	vm5 =	vgt.s32 v13, s22  }
0x6d: {  	s17 =	simm.s32 $0x70;
	vm10 =	vne.s32 v25, $0x0;
	v14 =	vadd.s32 s16, v6;
	v6 =	vnsel vm5, s22, v13;
	v13 =	vld [tilespmem:s23+$0xFFFFFFE0]  }
0x6e: {  	v10 =	vsub.s32 v10, v5;
	v59 =	vmov s17;
	vm2 =	vmmov vm2  }
0x6f: {  	s30 =	simm.s32 $0x40;
	v27 =	vld [tilespmem:s23+$0x0];
	v10 =	vnsel vm2, $0x0, v10;
	v11 =	vimm.s32 $0x0;
	vm6 =	vgt.s32 v8, $0xFFFFFFFF  }
0x70: {  	v8 =	vshll.u32 v19, $0xB;
	v5 =	vsub.s32 v5, v14;
	v14 =	vmov s30  }
0x71: {  	vm3 =	vmmov vm3;
	v8 =	vadd.s32 v1, v8;
	v21 =	vshll.u32 v14, $0xB  }
0x72: {  	v8 =	vsub.s32 v8, v19;
	v21 =	vor.u32 v1, v21;
	v19 =	vand.u32 $0x3FF, v13  }
0x73: {  	v7 =	vadd.s32 v11, v7;
	v14 =	vsub.s32 v21, v14;
	v24 =	vadd.s32 $0xFFFFFFFF, v19  }
0x74: {  	v7 =	vadd.s32 v10, v7;
	v10 =	vand.u32 $0x3FF, v27;
	v14 =	vadd.s32 v24, v14  }
0x75: {  	v15 =	vnsel vm4, $0x0, v15;
	v16 =	vnsel vm3, $0x0, v16;
	v14 =	vadd.s32 v2, v14  }
0x76: {  	v7 =	vadd.s32 v15, v7;
	vm7 =	vne.s32 v19, $0x0;
	v14 =	vxor.u32 $0x80000000, v14  }
0x77: {  	v17 =	vsel vm1, $0xFFFFFFFF, v17;
	v8 =	vadd.s32 v28, v8;
	v14 =	vnsel vm7, $0x7FFFFFFF, v14  }
0x78: {  	v7 =	vadd.s32 v12, v7;
	vm5 =	vmmov vm4;
	v8 =	vadd.s32 v2, v8;
	(xrf0) =	vmax.scan.msk.u32 $0xffff, v14  }
0x79: {  	vm6 =	vmand vm2, vm6;
	vm2 =	vmmov vm8;
	s21 =	spop (v2sf);
	v8 =	vxor.u32 $0x80000000, v8  }
0x7a: {  	s16 =	simm.s32 $0x60;
	v18 =	vand.u32 $0x7FF, v6;
	v5 =	vadd.s32 v2, v5;
	p1 =	sgt.s32 s22, s21;
	v8 =	vnsel vm8, $0x7FFFFFFF, v8  }
0x7b: {  	v23 =	vmov s16;
	v18 =	vadd.s32 s29, v18;
	s21 =	smov.u32 @p1 s22;
	v19 =	vsub.s32 $0x0, v5;
	(xrf0) =	vmax.scan.msk.u32 $0xffff, v8  }
0x7c: {  	v11 =	vshll.u32 v23, $0xB;
	vm4 =	vgt.s32 v17, s21;
	v15 =	vmin.u32 v5, v19  }
0x7d: {  	v19 =	vadd.s32 v16, v7;
	v7 =	vsub.s32 v4, v18;
	v14 =	vnsel vm4, s21, v17  }
0x7e: {  	v17 =	vshll.u32 v59, $0xB;
	vm4 =	vne.s32 v10, $0x0;
	v10 =	vadd.s32 $0xFFFFFFFF, v10;
	v61, _, _ =	vpop (xrf0)  }
0x7f: {  	v8 =	vor.u32 v1, v11;
	v11 =	vadd.s32 v1, v17;
	v21 =	vxor.u32 $0x80000000, v61  }
0x80: {  	v17 =	vand.u32 $0x7FF, v14;
	v8 =	vsub.s32 v8, v23;
	(v2sf) =	vpush v21, $0xF  }
0x81: {  	v11 =	vsub.s32 v11, v59;
	v17 =	vadd.s32 s18, v17;
	v8 =	vadd.s32 v10, v8;
	v62, _, _ =	vpop (xrf0)  }
0x82: {  	v9 =	vsub.s32 v9, v17;
	v8 =	vadd.s32 v2, v8;
	v17 =	vxor.u32 $0x80000000, v62  }
0x83: {  	v11 =	vadd.s32 v60, v11;
	v8 =	vxor.u32 $0x80000000, v8;
	(v2sf) =	vpush v17, $0xF  }
0x84: {  	v63 =	vnsel vm6, $0x0, v15;
	v11 =	vadd.s32 v2, v11;
	v8 =	vnsel vm4, $0x7FFFFFFF, v8  }
0x85: {  	vm9 =	vgt.s32 v14, $0xFFFFFFFF;
	s18 =	spop (v2sf);
	(xrf0) =	vmax.scan.msk.u32 $0xffff, v8;
	v8 =	vxor.u32 $0x80000000, v11;
	v14 =	vperm.xlane v21, v3  }
0x86: {  	vm9 =	vmand vm3, vm9;
	p1 =	sgt.s32 s21, s18;
	v9 =	vadd.s32 v2, v9;
	v8 =	vnsel vm10, $0x7FFFFFFF, v8  }
0x87: {  	s18 =	smov.u32 @p1 s21;
	v21 =	vperm.xlane v17, v3;
	v17 =	vsub.s32 $0x0, v9;
	v5 =	vsel vm1, $0xFFFFFFFF, v14  }
0x88: {  	(xrf0) =	vmax.scan.msk.u32 $0xffff, v8;
	v17 =	vmin.u32 v9, v17;
	v9 =	vshra.s32 v13, $0xA;
	vm3 =	vgt.s32 v5, s18  }
0x89: {  	v13 =	vadd.s32 v2, v7;
	v4 =	vsub.s32 v24, v9;
	v5 =	vnsel vm3, s18, v5  }
0x8a: {  	v8 =	vnsel vm7, $0x0, v4;
	vm3 =	vmmov vm10;
	v12 =	vand.u32 $0x7FF, v5  }
0x8b: {  	v4 =	vshra.s32 v27, $0xA;
	v11, _, _ =	vpop (xrf0);
	vm8 =	vgt.s32 v5, $0xFFFFFFFF;
	v5 =	vadd.s32 s30, v12  }
0x8c: {  	v7 =	vxor.u32 $0x80000000, v11;
	vm7 =	vmand vm7, vm8;
	vm8 =	vgt.s32 v6, $0xFFFFFFFF  }
0x8d: {  	v6 =	vshra.s32 v22, $0xA;
	v5 =	vsub.s32 v9, v5;
	(v2sf) =	vpush v7, $0xF  }
0x8e: {  	v9, _, _ =	vpop (xrf0);
	v15 =	vsub.s32 v28, v6;
	v11 =	vadd.s32 v2, v5;
	v5 =	vperm.xlane v7, v3  }
0x8f: {  	v14 =	vxor.u32 $0x80000000, v9;
	v7 =	vsub.s32 v10, v4;
	v9 =	vshra.s32 v20, $0xA;
	s20 =	spop (v2sf)  }
0x90: {  	v15 =	vnsel vm2, $0x0, v15;
	v16 =	vsub.s32 $0x0, v11;
	v7 =	vnsel vm4, $0x0, v7;
	p1 =	sgt.s32 s18, s20  }
0x91: {  	(v2sf) =	vpush v14, $0xF;
	v10 =	vmin.u32 v11, v16;
	v11 =	vsel vm1, $0xFFFFFFFF, v21;
	s20 =	smov.u32 @p1 s18  }
0x92: {  	v12 =	vperm.xlane v14, v3;
	v18 =	vsel vm1, $0xFFFFFFFF, v5;
	s22 =	spop (v2sf);
	vm15 =	vgt.s32 v11, s20  }
0x93: {  	v5 =	vsub.s32 v60, v9;
	v16 =	vnsel vm9, $0x0, v17;
	p1 =	sgt.s32 s20, s22;
	v11 =	vnsel vm15, s20, v11  }
0x94: {  	v17 =	vadd.s32 v63, v19;
	v10 =	vnsel vm7, $0x0, v10;
	s22 =	smov.u32 @p1 s20;
	v14 =	vand.u32 $0x7FF, v11  }
0x95: {  	vm7 =	vmand vm5, vm8;
	vm5 =	vgt.s32 v18, s22;
	v14 =	vadd.s32 s31, v14  }
0x96: {  	s19 =	simm.s32 $0x80;
	v5 =	vnsel vm3, $0x0, v5;
	s18 =	simm.s32 $0x4;
	s20 =	simm.s32 $0xA0;
	v14 =	vsub.s32 v6, v14;
	v6 =	vnsel vm5, s22, v18  }
.LBB2_2:
0x97: {  	v18 =	vmov s19  }
0x98: {  	v19 =	vld [tilespmem:s20+$0xFFFFFFE0];
	s21 =	sadd.s32 $0x10, s19;
	s24 =	sadd.s32 $0x20, s19;
	s18 =	sadd.s32 $0x4, s18;
	v20 =	vand.u32 $0x7FF, v6;
	v21 =	vsel vm1, $0xFFFFFFFF, v12;
	vm5 =	vmmov vm4  }
0x99: {  	vm6 =	vgt.s32 v11, $0xFFFFFFFF;
	v22 =	vshll.u32 v18, $0xB;
	v23 =	vmov s21;
	v12 =	vld [tilespmem:s20+$0x10];
	p1 =	slt.u32 s18, $0x1C  }
0x9a: {  	s23 =	sadd.s32 $0x30, s19;
	v20 =	vadd.s32 s16, v20;
	s16 =	smov.u32 s24;
	v22 =	vor.u32 v1, v22;
	v11 =	vld [tilespmem:s20+$0xFFFFFFF0];
	v24 =	vshll.u32 v23, $0xB  }
0x9b: {  	v25 =	vsub.s32 $0x0, v13;
	v18 =	vsub.s32 v22, v18;
	v22 =	vadd.s32 v1, v24;
	v24 =	vld [tilespmem:s20+$0x0]  }
0x9c: {  	v13 =	vmin.u32 v13, v25;
	v22 =	vsub.s32 v22, v23;
	v23 =	vmov s23;
	s24 =	spop (v2sf)  }
0x9d: {  	v26 =	vmov s16;
	v13 =	vnsel vm7, $0x0, v13;
	v25 =	vand.u32 $0x3FF, v19;
	p2 =	sgt.s32 s22, s24  }
0x9e: {  	v29 =	vadd.s32 v2, v14;
	v27 =	vadd.s32 $0xFFFFFFFF, v25;
	v28 =	vand.u32 $0x3FF, v12;
	s24 =	smov.u32 @p2 s22  }
0x9f: {  	v14 =	vadd.s32 v27, v18;
	v18 =	vand.u32 $0x3FF, v11;
	vm4 =	vgt.s32 v21, s24  }
0xa0: {  	v13 =	vadd.s32 v13, v17;
	v30 =	vadd.s32 v2, v14;
	v14 =	vadd.s32 $0xFFFFFFFF, v18;
	s22 =	spop (v2sf)  }
0xa1: {  	vm7 =	vne.s32 v25, $0x0;
	v25 =	vsub.s32 $0x0, v29;
	v17 =	vxor.u32 $0x80000000, v30;
	p2 =	sgt.s32 s24, s22  }
0xa2: {  	v13 =	vadd.s32 v16, v13;
	v22 =	vadd.s32 v14, v22;
	v17 =	vnsel vm7, $0x7FFFFFFF, v17;
	s22 =	smov.u32 @p2 s24  }
0xa3: {  	vm8 =	vne.s32 v18, $0x0;
	v16 =	vadd.s32 v2, v22;
	(xrf0) =	vmax.scan.msk.u32 $0xffff, v17;
	v17 =	vnsel vm4, s24, v21  }
0xa4: {  	v8 =	vadd.s32 v13, v8;
	v18 =	vshll.u32 v23, $0xB;
	v16 =	vxor.u32 $0x80000000, v16  }
0xa5: {  	v8 =	vadd.s32 v15, v8;
	v13 =	vnsel vm8, $0x7FFFFFFF, v16;
	v16 =	vshll.u32 v26, $0xB  }
0xa6: {  	vm10 =	vne.s32 v28, $0x0;
	v15 =	vand.u32 $0x3FF, v24;
	v21 =	vadd.s32 $0xFFFFFFFF, v28;
	(xrf0) =	vmax.scan.msk.u32 $0xffff, v13  }
0xa7: {  	vm4 =	vne.s32 v15, $0x0;
	v13 =	vor.u32 v1, v16;
	v16 =	vadd.s32 v1, v18  }
0xa8: {  	v15 =	vadd.s32 $0xFFFFFFFF, v15;
	v18 =	vand.u32 $0x7FF, v17;
	v16 =	vsub.s32 v16, v23  }
0xa9: {  	v13 =	vsub.s32 v13, v26;
	v18 =	vadd.s32 s17, v18;
	s17 =	smov.u32 s23;
	v16 =	vadd.s32 v21, v16;
	v22, _, _ =	vpop (xrf0)  }
0xaa: {  	v13 =	vadd.s32 v15, v13;
	v16 =	vadd.s32 v2, v16;
	v23 =	vxor.u32 $0x80000000, v22  }
0xab: {  	vm9 =	vgt.s32 v17, $0xFFFFFFFF;
	v13 =	vadd.s32 v2, v13;
	(v2sf) =	vpush v23, $0xF  }
0xac: {  	v9 =	vsub.s32 v9, v18;
	v13 =	vxor.u32 $0x80000000, v13;
	v17 =	vperm.xlane v23, v3;
	v22, _, _ =	vpop (xrf0)  }
0xad: {  	v9 =	vadd.s32 v2, v9;
	v13 =	vnsel vm4, $0x7FFFFFFF, v13;
	v18 =	vxor.u32 $0x80000000, v22  }
0xae: {  	v22 =	vperm.xlane v18, v3;
	(v2sf) =	vpush v18, $0xF;
	(xrf0) =	vmax.scan.msk.u32 $0xffff, v13;
	v13 =	vsub.s32 $0x0, v9  }
0xaf: {  	v7 =	vadd.s32 v7, v8;
	v16 =	vxor.u32 $0x80000000, v16;
	v18 =	vmin.u32 v9, v13  }
0xb0: {  	v7 =	vadd.s32 v10, v7;
	vm9 =	vmand vm3, vm9;
	v8 =	vnsel vm10, $0x7FFFFFFF, v16  }
0xb1: {  	v16 =	vmin.u32 v29, v25;
	v9 =	vshra.s32 v19, $0xA;
	v19 =	vadd.s32 v5, v7;
	(xrf0) =	vmax.scan.msk.u32 $0xffff, v8  }
0xb2: {  	vm6 =	vmand vm2, vm6;
	v5 =	vsel vm1, $0xFFFFFFFF, v17;
	v7 =	vsub.s32 v4, v20  }
0xb3: {  	vm2 =	vmmov vm8;
	vm3 =	vgt.s32 v5, s22;
	v4 =	vsub.s32 v27, v9  }
0xb4: {  	v5 =	vnsel vm3, s22, v5;
	v8 =	vnsel vm7, $0x0, v4;
	vm3 =	vmmov vm10;
	v10, _, _ =	vpop (xrf0)  }
0xb5: {  	v13 =	vadd.s32 v2, v7;
	v4 =	vshra.s32 v24, $0xA;
	v17 =	vand.u32 $0x7FF, v5  }
0xb6: {  	vm8 =	vgt.s32 v5, $0xFFFFFFFF;
	v5 =	vadd.s32 s19, v17;
	v7 =	vxor.u32 $0x80000000, v10  }
0xb7: {  	vm7 =	vmand vm7, vm8;
	v5 =	vsub.s32 v9, v5;
	(v2sf) =	vpush v7, $0xF;
	v9, _, _ =	vpop (xrf0)  }
0xb8: {  	v10 =	vadd.s32 v2, v5;
	v5 =	vperm.xlane v7, v3;
	v17 =	vxor.u32 $0x80000000, v9  }
0xb9: {  	v20 =	vsub.s32 $0x0, v10;
	v7 =	vsub.s32 v15, v4;
	v9 =	vshra.s32 v12, $0xA  }
0xba: {  	v23 =	vsel vm1, $0xFFFFFFFF, v5;
	v7 =	vnsel vm4, $0x0, v7;
	v5 =	vsub.s32 v21, v9;
	s23 =	spop (v2sf)  }
0xbb: {  	v12 =	vperm.xlane v17, v3;
	v5 =	vnsel vm3, $0x0, v5;
	p2 =	sgt.s32 s22, s23;
	(v2sf) =	vpush v17, $0xF  }
0xbc: {  	vm8 =	vgt.s32 v6, $0xFFFFFFFF;
	v10 =	vmin.u32 v10, v20;
	v15 =	vsel vm1, $0xFFFFFFFF, v22;
	s23 =	smov.u32 @p2 s22  }
.Ltmp2:
0xbd: {  	v10 =	vnsel vm7, $0x0, v10;
	vm7 =	vmand vm5, vm8;
	vm10 =	vgt.s32 v15, s23;
	s22 =	spop (v2sf);
	(pc) =	sbr.rel @p1 .LBB2_2-.Ltmp2, $4  }
0xbe: {  	v6 =	vshra.s32 v11, $0xA;
	v17 =	vnsel vm6, $0x0, v16;
	v11 =	vnsel vm10, s23, v15;
	p2 =	sgt.s32 s23, s22  }
0xbf: {  	v14 =	vsub.s32 v14, v6;
	v16 =	vnsel vm9, $0x0, v18;
	v15 =	vand.u32 $0x7FF, v11;
	s22 =	smov.u32 @p2 s23  }
0xc0: {  	v18 =	vadd.s32 s21, v15;
	v15 =	vnsel vm2, $0x0, v14;
	vm5 =	vgt.s32 v23, s22  }
0xc1: {  	s20 =	sadd.s32 $0x40, s20;
	s19 =	sadd.s32 $0x40, s19;
	v17 =	vadd.s32 v17, v19;
	v14 =	vsub.s32 v6, v18;
	v6 =	vnsel vm5, s22, v23  }
0xc2: {  	_ =	sdelay $0x1  }
0xc3: {  	v51 =	vand.u32 $0x7FF, v6  }
0xc4: {  	v12 =	vsel vm1, $0xFFFFFFFF, v12;
	v54 =	vadd.s32 s16, v51  }
0xc5: {  	v18 =	vsub.s32 $0x0, v13;
	vm4 =	vmmov vm4;
	v58 =	vld [tilespmem:$0x200];
	v4 =	vsub.s32 v4, v54;
	s18 =	spop (v2sf)  }
0xc6: {  	v55 =	vadd.s32 v2, v14;
	v13 =	vmin.u32 v13, v18;
	v4 =	vadd.s32 v2, v4;
	p1 =	sgt.s32 s22, s18  }
0xc7: {  	v56 =	vsub.s32 $0x0, v55;
	v52 =	vnsel vm7, $0x0, v13;
	v60 =	vsub.s32 $0x0, v4;
	s18 =	smov.u32 @p1 s22  }
0xc8: {  	v59 =	vmin.u32 v55, v56;
	v4 =	vmin.u32 v4, v60;
	vm1 =	vgt.s32 v12, s18  }
0xc9: {  	v12 =	vnsel vm1, s18, v12;
	vm1 =	vgt.s32 v11, $0xFFFFFFFF;
	v11 =	vadd.s32 v52, v17  }
0xca: {  	v62 =	vcvt.s32.f32 v58;
	v53 =	vand.u32 $0x7FF, v12;
	v11 =	vadd.s32 v16, v11  }
0xcb: {  	vm5 =	vgt.s32 v12, $0xFFFFFFFF;
	vm1 =	vmand vm2, vm1;
	v8 =	vadd.s32 v11, v8  }
0xcc: {  	vm2 =	vgt.s32 v6, $0xFFFFFFFF;
	v13 =	vadd.s32 s17, v53;
	v8 =	vadd.s32 v15, v8  }
0xcd: {  	vm2 =	vmand vm4, vm2;
	v9 =	vsub.s32 v9, v13;
	v7 =	vadd.s32 v7, v8  }
0xce: {  	v61 =	vnsel vm1, $0x0, v59;
	v9 =	vadd.s32 v2, v9;
	v7 =	vadd.s32 v10, v7  }
0xcf: {  	vm1 =	vmand vm3, vm5;
	v57 =	vsub.s32 $0x0, v9;
	v5 =	vadd.s32 v5, v7  }
0xd0: {  	v4 =	vnsel vm2, $0x0, v4;
	v9 =	vmin.u32 v9, v57;
	v5 =	vadd.s32 v61, v5  }
0xd1: {  	v63 =	vnsel vm1, $0x0, v9;
	v4 =	vadd.s32 v4, v5;
	v5 =	vadd.f32 $-1.000000000e+00, v62  }
0xd2: {  	v4 =	vadd.s32 v63, v4  }
0xd3: {  	(xrf0) =	vadd.scan.msk.s32 $0xffff, v4;
	v4 =	vmax.f32 v5, $1.000000000e+00  }
0xd4: {  	(erf) = vrcp.f32 v4;
	v4 =	vadd.f32 $1.000000000e+00, v62;
	_ =	sdelay $0x1  }
0xd5: {  	(erf) = vrcp.f32 v4;
	_ =	sdelay $0x2  }
0xd6: {  	v4, _, _ =	vpop (xrf0)  }
0xd7: {  	v4 =	vcvt.s32.f32 v4;
	_ =	sdelay $0x1  }
0xd8: {  	v4 =	vbroadcast v4, $0xF  }
0xd9: {  	v5 =	vpop (erf)  }
0xda: {  	v4 =	vmul.f32 v5, v4  }
0xdb: {  	v5 =	vpop (erf)  }
0xdc: {  	v4 =	vmul.f32 v4, v5  }
0xdd: {  	vm1 =	vgt.s32 v58, $0x1  }
0xde: {  	v4 =	vnsel vm1, $0x0, v4  }
0xdf: {  	v4 =	vnsel vm0, $0x0, v4  }
.Ltmp3:
0xe0: {  	s31 =	spop (v2sf);
	[tilespmem:$0x280] =	vst v4;
	(pc) =	sbr.rel @p0 .LBB2_7-.Ltmp3, $4  }
0xe1: {  	[hbm4b:s5+s2] =	stream.linear.scatter [tilespmem:s14], [sflag:$0x1], $0x80, $0x38;
	[tilespmem:$0x300] =	vst v63  }
0xe2: {  	_ =	swait.ge [sflag:s12], $0x80  }
0xe3: {  	[sflag:s12] =	ssyncset.done $0x0  }
0xe4: {  	[sflag:s12] =	ssyncadd.s32 $0xFFFFFF80  }
0xe5: {  	s19 =	simm.s32 $0x0  }
0xe6: {  	[tilespmem:s19], [sflag:$0x1] =	stream.strided.gather [hbm4b:s6+s10], $0x200, s11, s10, $0x38;
	[tilespmem:$0x300] =	vst v63  }
0xe7: {  	_ =	swait.ge [sflag:s12], $0x200  }
0xe8: {  	[sflag:s12] =	ssyncset.done $0x0  }
0xe9: {  	[sflag:s12] =	ssyncadd.s32 $0xFFFFFE00  }
0xea: {  	[tilespmem:s13], [sflag:$0x1] =	stream.linear.gather [hbm4b:s7+s19], $0x80, $0x38;
	[tilespmem:$0x300] =	vst v63  }
0xeb: {  	_ =	swait.ge [sflag:s12], $0x80  }
0xec: {  	[sflag:s12] =	ssyncset.done $0x0  }
0xed: {  	s17 =	simm.s32 $0x20;
	[sflag:s12] =	ssyncadd.s32 $0xFFFFFF80  }
0xee: {  	v4 =	vld [tilespmem:s17+$0xFFFFFFE0];
	_ =	sdelay $0x1  }
0xef: {  	v5 =	vld [tilespmem:s17+$0xFFFFFFF0]  }
0xf0: {  	v6 =	vmov s19  }
0xf1: {  	s16 =	simm.s32 $0x10;
	v7 =	vshll.u32 v6, $0xB  }
0xf2: {  	v8 =	vmov s16;
	v7 =	vor.u32 v1, v7;
	v9 =	vand.u32 $0x3FF, v4  }
0xf3: {  	v10 =	vshll.u32 v8, $0xB;
	v6 =	vsub.s32 v7, v6;
	v7 =	vadd.s32 $0xFFFFFFFF, v9  }
0xf4: {  	v10 =	vadd.s32 v1, v10;
	v11 =	vand.u32 $0x3FF, v5;
	v6 =	vadd.s32 v7, v6  }
0xf5: {  	v8 =	vsub.s32 v10, v8;
	v10 =	vadd.s32 $0xFFFFFFFF, v11;
	v6 =	vadd.s32 v2, v6  }
0xf6: {  	vm5 =	vne.s32 v9, $0x0;
	v8 =	vadd.s32 v10, v8;
	v6 =	vxor.u32 $0x80000000, v6  }
0xf7: {  	v8 =	vadd.s32 v2, v8;
	v6 =	vnsel vm5, $0x7FFFFFFF, v6  }
0xf8: {  	vm2 =	vne.s32 v11, $0x0;
	(xrf0) =	vmax.scan.msk.u32 $0xffff, v6;
	v6 =	vxor.u32 $0x80000000, v8  }
0xf9: {  	s29 =	simm.s32 $0x20;
	v12 =	vld [tilespmem:s17+$0x0];
	v6 =	vnsel vm2, $0x7FFFFFFF, v6  }
0xfa: {  	(xrf0) =	vmax.scan.msk.u32 $0xffff, v6;
	v6 =	vmov s29  }
0xfb: {  	v11 =	vshll.u32 v6, $0xB  }
0xfc: {  	v11 =	vor.u32 v1, v11;
	_ =	sdelay $0x1  }
0xfd: {  	v14 =	vand.u32 $0x3FF, v12  }
0xfe: {  	v6 =	vsub.s32 v11, v6;
	v11, _, _ =	vpop (xrf0)  }
0xff: {  	v9 =	vld [tilespmem:s17+$0x10];
	v11 =	vxor.u32 $0x80000000, v11  }
0x100: {  	s23 =	simm.s32 $0x60;
	v16 =	vadd.s32 $0xFFFFFFFF, v14;
	vm4 =	vne.s32 v14, $0x0;
	v14, _, _ =	vpop (xrf0);
	(v2sf) =	vpush v11, $0xF  }
0x101: {  	s18 =	simm.s32 $0x30;
	v20 =	vld [tilespmem:s23+$0x10];
	v14 =	vxor.u32 $0x80000000, v14  }
0x102: {  	vm1 =	veq.s32 v0, $0x0;
	s31 =	simm.s32 $0x50;
	v22 =	vld [tilespmem:s23+$0xFFFFFFF0];
	v8 =	vmov s18;
	(v2sf) =	vpush v14, $0xF  }
0x103: {  	v19 =	vmov s31;
	v15 =	vshll.u32 v8, $0xB;
	v6 =	vadd.s32 v16, v6  }
0x104: {  	v13 =	vand.u32 $0x3FF, v9;
	v15 =	vadd.s32 v1, v15;
	v6 =	vadd.s32 v2, v6  }
0x105: {  	v17 =	vadd.s32 $0xFFFFFFFF, v13;
	v8 =	vsub.s32 v15, v8;
	v6 =	vxor.u32 $0x80000000, v6  }
0x106: {  	v5 =	vshra.s32 v5, $0xA;
	v8 =	vadd.s32 v17, v8;
	v6 =	vnsel vm4, $0x7FFFFFFF, v6  }
0x107: {  	v25 =	vand.u32 $0x3FF, v20;
	v26 =	vand.u32 $0x3FF, v22;
	(xrf0) =	vmax.scan.msk.u32 $0xffff, v6;
	v6 =	vadd.s32 v2, v8  }
0x108: {  	vm3 =	vne.s32 v13, $0x0;
	v8 =	vperm.xlane v11, v3;
	v6 =	vxor.u32 $0x80000000, v6  }
0x109: {  	v28 =	vadd.s32 $0xFFFFFFFF, v26;
	vm8 =	vne.s32 v26, $0x0;
	v6 =	vnsel vm3, $0x7FFFFFFF, v6  }
0x10a: {  	s20 =	simm.s32 $0xFFFFFFFF;
	v60 =	vadd.s32 $0xFFFFFFFF, v25;
	(xrf0) =	vmax.scan.msk.u32 $0xffff, v6;
	v6 =	vshra.s32 v4, $0xA;
	v4 =	vsel vm1, $0xFFFFFFFF, v8  }
0x10b: {  	v8 =	vperm.xlane v14, v3;
	vm6 =	vgt.s32 v4, s20;
	v7 =	vsub.s32 v7, v6  }
0x10c: {  	v9 =	vshra.s32 v9, $0xA;
	v4 =	vnsel vm6, s20, v4;
	v7 =	vnsel vm5, $0x0, v7  }
0x10d: {  	v8 =	vsel vm1, $0xFFFFFFFF, v8;
	v13, _, _ =	vpop (xrf0);
	v14 =	vand.u32 $0x7FF, v4;
	vm6 =	vgt.s32 v4, $0xFFFFFFFF  }
0x10e: {  	v4 =	vshra.s32 v12, $0xA;
	v13 =	vxor.u32 $0x80000000, v13;
	v14 =	vadd.s32 s19, v14  }
0x10f: {  	vm5 =	vmand vm5, vm6;
	v15 =	vsub.s32 v16, v4;
	v6 =	vsub.s32 v6, v14;
	s19 =	spop (v2sf)  }
0x110: {  	(v2sf) =	vpush v13, $0xF;
	v13 =	vperm.xlane v13, v3;
	v12, _, _ =	vpop (xrf0);
	v6 =	vadd.s32 v2, v6;
	p1 =	slt.s32 s19, $0xFFFFFFFF  }
0x111: {  	v16 =	vsub.s32 v17, v9;
	v12 =	vxor.u32 $0x80000000, v12;
	v14 =	vsub.s32 $0x0, v6;
	s22 =	spop (v2sf);
	s19 =	smov.u32 @p1 s20  }
0x112: {  	v13 =	vsel vm1, $0xFFFFFFFF, v13;
	v17 =	vperm.xlane v12, v3;
	vm6 =	vgt.s32 v8, s19;
	p1 =	sgt.s32 s19, s22  }
0x113: {  	v6 =	vmin.u32 v6, v14;
	(v2sf) =	vpush v12, $0xF;
	v8 =	vnsel vm6, s19, v8;
	s22 =	smov.u32 @p1 s19  }
0x114: {  	v12 =	vnsel vm5, $0x0, v6;
	v6 =	vand.u32 $0x7FF, v8;
	vm5 =	vgt.s32 v13, s22  }
0x115: {  	s17 =	simm.s32 $0x70;
	vm10 =	vne.s32 v25, $0x0;
	v14 =	vadd.s32 s16, v6;
	v6 =	vnsel vm5, s22, v13;
	v13 =	vld [tilespmem:s23+$0xFFFFFFE0]  }
0x116: {  	v10 =	vsub.s32 v10, v5;
	v59 =	vmov s17;
	vm2 =	vmmov vm2  }
0x117: {  	s30 =	simm.s32 $0x40;
	v27 =	vld [tilespmem:s23+$0x0];
	v10 =	vnsel vm2, $0x0, v10;
	v11 =	vimm.s32 $0x0;
	vm6 =	vgt.s32 v8, $0xFFFFFFFF  }
0x118: {  	v8 =	vshll.u32 v19, $0xB;
	v5 =	vsub.s32 v5, v14;
	v14 =	vmov s30  }
0x119: {  	vm3 =	vmmov vm3;
	v8 =	vadd.s32 v1, v8;
	v21 =	vshll.u32 v14, $0xB  }
0x11a: {  	v8 =	vsub.s32 v8, v19;
	v21 =	vor.u32 v1, v21;
	v19 =	vand.u32 $0x3FF, v13  }
0x11b: {  	v7 =	vadd.s32 v11, v7;
	v14 =	vsub.s32 v21, v14;
	v24 =	vadd.s32 $0xFFFFFFFF, v19  }
0x11c: {  	v7 =	vadd.s32 v10, v7;
	v10 =	vand.u32 $0x3FF, v27;
	v14 =	vadd.s32 v24, v14  }
0x11d: {  	v15 =	vnsel vm4, $0x0, v15;
	v16 =	vnsel vm3, $0x0, v16;
	v14 =	vadd.s32 v2, v14  }
0x11e: {  	v7 =	vadd.s32 v15, v7;
	vm7 =	vne.s32 v19, $0x0;
	v14 =	vxor.u32 $0x80000000, v14  }
0x11f: {  	v17 =	vsel vm1, $0xFFFFFFFF, v17;
	v8 =	vadd.s32 v28, v8;
	v14 =	vnsel vm7, $0x7FFFFFFF, v14  }
0x120: {  	v7 =	vadd.s32 v12, v7;
	vm5 =	vmmov vm4;
	v8 =	vadd.s32 v2, v8;
	(xrf0) =	vmax.scan.msk.u32 $0xffff, v14  }
0x121: {  	vm6 =	vmand vm2, vm6;
	vm2 =	vmmov vm8;
	s21 =	spop (v2sf);
	v8 =	vxor.u32 $0x80000000, v8  }
0x122: {  	s16 =	simm.s32 $0x60;
	v18 =	vand.u32 $0x7FF, v6;
	v5 =	vadd.s32 v2, v5;
	p1 =	sgt.s32 s22, s21;
	v8 =	vnsel vm8, $0x7FFFFFFF, v8  }
0x123: {  	v23 =	vmov s16;
	v18 =	vadd.s32 s29, v18;
	s21 =	smov.u32 @p1 s22;
	v19 =	vsub.s32 $0x0, v5;
	(xrf0) =	vmax.scan.msk.u32 $0xffff, v8  }
0x124: {  	v11 =	vshll.u32 v23, $0xB;
	vm4 =	vgt.s32 v17, s21;
	v15 =	vmin.u32 v5, v19  }
0x125: {  	v19 =	vadd.s32 v16, v7;
	v7 =	vsub.s32 v4, v18;
	v14 =	vnsel vm4, s21, v17  }
0x126: {  	v17 =	vshll.u32 v59, $0xB;
	vm4 =	vne.s32 v10, $0x0;
	v10 =	vadd.s32 $0xFFFFFFFF, v10;
	v61, _, _ =	vpop (xrf0)  }
0x127: {  	v8 =	vor.u32 v1, v11;
	v11 =	vadd.s32 v1, v17;
	v21 =	vxor.u32 $0x80000000, v61  }
0x128: {  	v17 =	vand.u32 $0x7FF, v14;
	v8 =	vsub.s32 v8, v23;
	(v2sf) =	vpush v21, $0xF  }
0x129: {  	v11 =	vsub.s32 v11, v59;
	v17 =	vadd.s32 s18, v17;
	v8 =	vadd.s32 v10, v8;
	v62, _, _ =	vpop (xrf0)  }
0x12a: {  	v9 =	vsub.s32 v9, v17;
	v8 =	vadd.s32 v2, v8;
	v17 =	vxor.u32 $0x80000000, v62  }
0x12b: {  	v11 =	vadd.s32 v60, v11;
	v8 =	vxor.u32 $0x80000000, v8;
	(v2sf) =	vpush v17, $0xF  }
0x12c: {  	v63 =	vnsel vm6, $0x0, v15;
	v11 =	vadd.s32 v2, v11;
	v8 =	vnsel vm4, $0x7FFFFFFF, v8  }
0x12d: {  	vm9 =	vgt.s32 v14, $0xFFFFFFFF;
	s18 =	spop (v2sf);
	(xrf0) =	vmax.scan.msk.u32 $0xffff, v8;
	v8 =	vxor.u32 $0x80000000, v11;
	v14 =	vperm.xlane v21, v3  }
0x12e: {  	vm9 =	vmand vm3, vm9;
	p1 =	sgt.s32 s21, s18;
	v9 =	vadd.s32 v2, v9;
	v8 =	vnsel vm10, $0x7FFFFFFF, v8  }
0x12f: {  	s18 =	smov.u32 @p1 s21;
	v21 =	vperm.xlane v17, v3;
	v17 =	vsub.s32 $0x0, v9;
	v5 =	vsel vm1, $0xFFFFFFFF, v14  }
0x130: {  	(xrf0) =	vmax.scan.msk.u32 $0xffff, v8;
	v17 =	vmin.u32 v9, v17;
	v9 =	vshra.s32 v13, $0xA;
	vm3 =	vgt.s32 v5, s18  }
0x131: {  	v13 =	vadd.s32 v2, v7;
	v4 =	vsub.s32 v24, v9;
	v5 =	vnsel vm3, s18, v5  }
0x132: {  	v8 =	vnsel vm7, $0x0, v4;
	vm3 =	vmmov vm10;
	v12 =	vand.u32 $0x7FF, v5  }
0x133: {  	v4 =	vshra.s32 v27, $0xA;
	v11, _, _ =	vpop (xrf0);
	vm8 =	vgt.s32 v5, $0xFFFFFFFF;
	v5 =	vadd.s32 s30, v12  }
0x134: {  	v7 =	vxor.u32 $0x80000000, v11;
	vm7 =	vmand vm7, vm8;
	vm8 =	vgt.s32 v6, $0xFFFFFFFF  }
0x135: {  	v6 =	vshra.s32 v22, $0xA;
	v5 =	vsub.s32 v9, v5;
	(v2sf) =	vpush v7, $0xF  }
0x136: {  	v9, _, _ =	vpop (xrf0);
	v15 =	vsub.s32 v28, v6;
	v11 =	vadd.s32 v2, v5;
	v5 =	vperm.xlane v7, v3  }
0x137: {  	v14 =	vxor.u32 $0x80000000, v9;
	v7 =	vsub.s32 v10, v4;
	v9 =	vshra.s32 v20, $0xA;
	s20 =	spop (v2sf)  }
0x138: {  	v15 =	vnsel vm2, $0x0, v15;
	v16 =	vsub.s32 $0x0, v11;
	v7 =	vnsel vm4, $0x0, v7;
	p1 =	sgt.s32 s18, s20  }
0x139: {  	(v2sf) =	vpush v14, $0xF;
	v10 =	vmin.u32 v11, v16;
	v11 =	vsel vm1, $0xFFFFFFFF, v21;
	s20 =	smov.u32 @p1 s18  }
0x13a: {  	v12 =	vperm.xlane v14, v3;
	v18 =	vsel vm1, $0xFFFFFFFF, v5;
	s22 =	spop (v2sf);
	vm15 =	vgt.s32 v11, s20  }
0x13b: {  	v5 =	vsub.s32 v60, v9;
	v16 =	vnsel vm9, $0x0, v17;
	p1 =	sgt.s32 s20, s22;
	v11 =	vnsel vm15, s20, v11  }
0x13c: {  	v17 =	vadd.s32 v63, v19;
	v10 =	vnsel vm7, $0x0, v10;
	s22 =	smov.u32 @p1 s20;
	v14 =	vand.u32 $0x7FF, v11  }
0x13d: {  	vm7 =	vmand vm5, vm8;
	vm5 =	vgt.s32 v18, s22;
	v14 =	vadd.s32 s31, v14  }
0x13e: {  	s19 =	simm.s32 $0x80;
	v5 =	vnsel vm3, $0x0, v5;
	s18 =	simm.s32 $0x4;
	s20 =	simm.s32 $0xA0;
	v14 =	vsub.s32 v6, v14;
	v6 =	vnsel vm5, s22, v18  }
.LBB2_5:
0x13f: {  	v18 =	vmov s19  }
0x140: {  	v19 =	vld [tilespmem:s20+$0xFFFFFFE0];
	s21 =	sadd.s32 $0x10, s19;
	s24 =	sadd.s32 $0x20, s19;
	s18 =	sadd.s32 $0x4, s18;
	v20 =	vand.u32 $0x7FF, v6;
	v21 =	vsel vm1, $0xFFFFFFFF, v12;
	vm5 =	vmmov vm4  }
0x141: {  	vm6 =	vgt.s32 v11, $0xFFFFFFFF;
	v22 =	vshll.u32 v18, $0xB;
	v23 =	vmov s21;
	v12 =	vld [tilespmem:s20+$0x10];
	p1 =	slt.u32 s18, $0x1C  }
0x142: {  	s23 =	sadd.s32 $0x30, s19;
	v20 =	vadd.s32 s16, v20;
	s16 =	smov.u32 s24;
	v22 =	vor.u32 v1, v22;
	v11 =	vld [tilespmem:s20+$0xFFFFFFF0];
	v24 =	vshll.u32 v23, $0xB  }
0x143: {  	v25 =	vsub.s32 $0x0, v13;
	v18 =	vsub.s32 v22, v18;
	v22 =	vadd.s32 v1, v24;
	v24 =	vld [tilespmem:s20+$0x0]  }
0x144: {  	v13 =	vmin.u32 v13, v25;
	v22 =	vsub.s32 v22, v23;
	v23 =	vmov s23;
	s24 =	spop (v2sf)  }
0x145: {  	v26 =	vmov s16;
	v13 =	vnsel vm7, $0x0, v13;
	v25 =	vand.u32 $0x3FF, v19;
	p2 =	sgt.s32 s22, s24  }
0x146: {  	v29 =	vadd.s32 v2, v14;
	v27 =	vadd.s32 $0xFFFFFFFF, v25;
	v28 =	vand.u32 $0x3FF, v12;
	s24 =	smov.u32 @p2 s22  }
0x147: {  	v14 =	vadd.s32 v27, v18;
	v18 =	vand.u32 $0x3FF, v11;
	vm4 =	vgt.s32 v21, s24  }
0x148: {  	v13 =	vadd.s32 v13, v17;
	v30 =	vadd.s32 v2, v14;
	v14 =	vadd.s32 $0xFFFFFFFF, v18;
	s22 =	spop (v2sf)  }
0x149: {  	vm7 =	vne.s32 v25, $0x0;
	v25 =	vsub.s32 $0x0, v29;
	v17 =	vxor.u32 $0x80000000, v30;
	p2 =	sgt.s32 s24, s22  }
0x14a: {  	v13 =	vadd.s32 v16, v13;
	v22 =	vadd.s32 v14, v22;
	v17 =	vnsel vm7, $0x7FFFFFFF, v17;
	s22 =	smov.u32 @p2 s24  }
0x14b: {  	vm8 =	vne.s32 v18, $0x0;
	v16 =	vadd.s32 v2, v22;
	(xrf0) =	vmax.scan.msk.u32 $0xffff, v17;
	v17 =	vnsel vm4, s24, v21  }
0x14c: {  	v8 =	vadd.s32 v13, v8;
	v18 =	vshll.u32 v23, $0xB;
	v16 =	vxor.u32 $0x80000000, v16  }
0x14d: {  	v8 =	vadd.s32 v15, v8;
	v13 =	vnsel vm8, $0x7FFFFFFF, v16;
	v16 =	vshll.u32 v26, $0xB  }
0x14e: {  	vm10 =	vne.s32 v28, $0x0;
	v15 =	vand.u32 $0x3FF, v24;
	v21 =	vadd.s32 $0xFFFFFFFF, v28;
	(xrf0) =	vmax.scan.msk.u32 $0xffff, v13  }
0x14f: {  	vm4 =	vne.s32 v15, $0x0;
	v13 =	vor.u32 v1, v16;
	v16 =	vadd.s32 v1, v18  }
0x150: {  	v15 =	vadd.s32 $0xFFFFFFFF, v15;
	v18 =	vand.u32 $0x7FF, v17;
	v16 =	vsub.s32 v16, v23  }
0x151: {  	v13 =	vsub.s32 v13, v26;
	v18 =	vadd.s32 s17, v18;
	s17 =	smov.u32 s23;
	v16 =	vadd.s32 v21, v16;
	v22, _, _ =	vpop (xrf0)  }
0x152: {  	v13 =	vadd.s32 v15, v13;
	v16 =	vadd.s32 v2, v16;
	v23 =	vxor.u32 $0x80000000, v22  }
0x153: {  	vm9 =	vgt.s32 v17, $0xFFFFFFFF;
	v13 =	vadd.s32 v2, v13;
	(v2sf) =	vpush v23, $0xF  }
0x154: {  	v9 =	vsub.s32 v9, v18;
	v13 =	vxor.u32 $0x80000000, v13;
	v17 =	vperm.xlane v23, v3;
	v22, _, _ =	vpop (xrf0)  }
0x155: {  	v9 =	vadd.s32 v2, v9;
	v13 =	vnsel vm4, $0x7FFFFFFF, v13;
	v18 =	vxor.u32 $0x80000000, v22  }
0x156: {  	v22 =	vperm.xlane v18, v3;
	(v2sf) =	vpush v18, $0xF;
	(xrf0) =	vmax.scan.msk.u32 $0xffff, v13;
	v13 =	vsub.s32 $0x0, v9  }
0x157: {  	v7 =	vadd.s32 v7, v8;
	v16 =	vxor.u32 $0x80000000, v16;
	v18 =	vmin.u32 v9, v13  }
0x158: {  	v7 =	vadd.s32 v10, v7;
	vm9 =	vmand vm3, vm9;
	v8 =	vnsel vm10, $0x7FFFFFFF, v16  }
0x159: {  	v16 =	vmin.u32 v29, v25;
	v9 =	vshra.s32 v19, $0xA;
	v19 =	vadd.s32 v5, v7;
	(xrf0) =	vmax.scan.msk.u32 $0xffff, v8  }
0x15a: {  	vm6 =	vmand vm2, vm6;
	v5 =	vsel vm1, $0xFFFFFFFF, v17;
	v7 =	vsub.s32 v4, v20  }
0x15b: {  	vm2 =	vmmov vm8;
	vm3 =	vgt.s32 v5, s22;
	v4 =	vsub.s32 v27, v9  }
0x15c: {  	v5 =	vnsel vm3, s22, v5;
	v8 =	vnsel vm7, $0x0, v4;
	vm3 =	vmmov vm10;
	v10, _, _ =	vpop (xrf0)  }
0x15d: {  	v13 =	vadd.s32 v2, v7;
	v4 =	vshra.s32 v24, $0xA;
	v17 =	vand.u32 $0x7FF, v5  }
0x15e: {  	vm8 =	vgt.s32 v5, $0xFFFFFFFF;
	v5 =	vadd.s32 s19, v17;
	v7 =	vxor.u32 $0x80000000, v10  }
0x15f: {  	vm7 =	vmand vm7, vm8;
	v5 =	vsub.s32 v9, v5;
	(v2sf) =	vpush v7, $0xF;
	v9, _, _ =	vpop (xrf0)  }
0x160: {  	v10 =	vadd.s32 v2, v5;
	v5 =	vperm.xlane v7, v3;
	v17 =	vxor.u32 $0x80000000, v9  }
0x161: {  	v20 =	vsub.s32 $0x0, v10;
	v7 =	vsub.s32 v15, v4;
	v9 =	vshra.s32 v12, $0xA  }
0x162: {  	v23 =	vsel vm1, $0xFFFFFFFF, v5;
	v7 =	vnsel vm4, $0x0, v7;
	v5 =	vsub.s32 v21, v9;
	s23 =	spop (v2sf)  }
0x163: {  	v12 =	vperm.xlane v17, v3;
	v5 =	vnsel vm3, $0x0, v5;
	p2 =	sgt.s32 s22, s23;
	(v2sf) =	vpush v17, $0xF  }
0x164: {  	vm8 =	vgt.s32 v6, $0xFFFFFFFF;
	v10 =	vmin.u32 v10, v20;
	v15 =	vsel vm1, $0xFFFFFFFF, v22;
	s23 =	smov.u32 @p2 s22  }
.Ltmp4:
0x165: {  	v10 =	vnsel vm7, $0x0, v10;
	vm7 =	vmand vm5, vm8;
	vm10 =	vgt.s32 v15, s23;
	s22 =	spop (v2sf);
	(pc) =	sbr.rel @p1 .LBB2_5-.Ltmp4, $4  }
0x166: {  	v6 =	vshra.s32 v11, $0xA;
	v17 =	vnsel vm6, $0x0, v16;
	v11 =	vnsel vm10, s23, v15;
	p2 =	sgt.s32 s23, s22  }
0x167: {  	v14 =	vsub.s32 v14, v6;
	v16 =	vnsel vm9, $0x0, v18;
	v15 =	vand.u32 $0x7FF, v11;
	s22 =	smov.u32 @p2 s23  }
0x168: {  	v18 =	vadd.s32 s21, v15;
	v15 =	vnsel vm2, $0x0, v14;
	vm5 =	vgt.s32 v23, s22  }
0x169: {  	s20 =	sadd.s32 $0x40, s20;
	s19 =	sadd.s32 $0x40, s19;
	v17 =	vadd.s32 v17, v19;
	v14 =	vsub.s32 v6, v18;
	v6 =	vnsel vm5, s22, v23  }
.Ltmp5:
0x16a: {  	_ = 	snop;
	(pc) =	sbr.rel .LBB2_6-.Ltmp5, $1  }
0x16b: {  	_ =	sdelay $0x3  }
.LBB2_8:
0x16c: {  	_ =	sfence.sel $0x180000  }
0x16d: {  	[bflag:$0x0] =	sbarrier.arrive $0xFFFF  }
0x16e: {  	p0 =	sne.s32 s1, $0x0;
	_ =	strace $0x90000047  }
0x16f: {  	s0 =	sadd.s32 @!p0 $0x100000, s0;
	[bflag:$0x2] =	sbarrier.arrive $0xFFFF  }
0x170: {  	[sflag:s0] =	ssyncadd.tile.s32 @!p0 $0x1;
	_ =	shalt  }
.Lfunc_end2:
_tile_overlayer_lowered:
.L_overlay_start_2:
0x171: {  	(tag) =	ssettag $0x2  }
0x172: {  	s0 =	rddreg [dreg:$0x0];
	s2 =	stileid.u32  }
0x173: {  	s1 =	rddreg [dreg:$0x1];
	p0 =	sne.s32 s2, $0x0  }
0x174: {  	s3 =	rddreg [dreg:$0x2];
	[bflag:$0x3] =	sbarrier.arrive $0xFFFF;
	s2 =	simm.s32 @!p0 $0x1C01  }
0x175: {  	[timem:s3], [sflag:s2] =	dma.local @!p0 [hbm:s0], s1  }
0x176: {  	s0 =	simm.s32 @!p0 $0x1  }
0x177: {  	_ =	swait.ge @!p0 [sflag:s0], s1  }
0x178: {  	s1 =	ssub.s32 @!p0 $0x0, s1;
	[sflag:s0] =	ssyncset.done @!p0 $0x0  }
0x179: {  	[sflag:s0] =	ssyncadd.s32 @!p0 s1  }
0x17a: {  	[bflag:$0x3] =	sbarrier.arrive $0xFFFF  }
0x17b: {  	_ =	shalt  }

</sc_bundles>
